<compile_context>
chip_gen: v7x
topology: tpu7x:2x2x1
jax: 0.10.2.dev20260603
libtpu: 0.0.44.dev20260713+nightly
codegen_flags: <defaults>
</compile_context>

<pallas_src>
import functools

import jax
import jax.numpy as jnp
from jax import lax
from jax.experimental import pallas as pl
from jax.experimental.pallas import tpu as pltpu
from jax.experimental.pallas import tpu_sc as plsc

B = 4096
F = 26
D = 64
LANES = 16
FPAD = 32
NUM_WORKERS = 32
DIMS_PER_W = D // NUM_WORKERS
NSUBC = 16
V = 100000
BC = 256
NCH = B // BC
NIB = 2


def _emb_body(idx_hbm, tab_hbm, out_hbm, row_v, idx_v, outc_v,
              sh_idx, sem0, sem1, semr, semp, semo):
    sems = (sem0, sem1)
    cid = lax.axis_index("c")
    sid = lax.axis_index("s")
    wid = sid * 2 + cid
    d0 = wid * DIMS_PER_W

    pltpu.make_async_copy(tab_hbm.at[d0], row_v, semr).start()
    stripe = pl.ds(sid * (B // NSUBC), B // NSUBC)
    pltpu.sync_copy(idx_hbm.at[:, stripe], sh_idx.at[:, stripe])
    plsc.subcore_barrier()

    def load_idx(c, buf):
        pltpu.make_async_copy(
            sh_idx.at[:, pl.ds(c * BC, BC)], idx_v.at[buf], sems[buf]
        ).start()

    def wait_idx(buf):
        pltpu.make_async_copy(
            sh_idx.at[:, pl.ds(0, BC)], idx_v.at[buf], sems[buf]
        ).wait()

    def run_dim(d):
        def compute_chunk(c, buf):
            def jbody(j, carry):
                sl = pl.ds(j * LANES, LANES)
                vals = [
                    plsc.load_gather(row_v, [idx_v[buf, f, sl]])
                    for f in range(F)
                ]
                while len(vals) > 1:
                    nxt = [a + b for a, b in zip(vals[0::2], vals[1::2])]
                    if len(vals) % 2:
                        nxt.append(vals[-1])
                    vals = nxt
                outc_v[buf, sl] = vals[0]
                return carry

            lax.fori_loop(0, BC // LANES, jbody, 0)
            pltpu.make_async_copy(
                outc_v.at[buf], out_hbm.at[d, pl.ds(c * BC, BC)], semo
            ).start()

        load_idx(0, 0)

        def outer(it, carry):
            c2 = it * NIB
            for b in range(NIB):
                c = c2 + b

                @pl.when(c + 1 < NCH)
                def _():
                    load_idx(c + 1, 1 - b)

                wait_idx(b)

                @pl.when(c >= NIB)
                def _():
                    pltpu.make_async_copy(
                        outc_v.at[b], out_hbm.at[d, pl.ds(0, BC)], semo
                    ).wait()

                compute_chunk(c, b)
            return carry

        lax.fori_loop(0, NCH // NIB, outer, 0)
        for b in range(NIB):
            pltpu.make_async_copy(
                outc_v.at[b], out_hbm.at[d, pl.ds(0, BC)], semo
            ).wait()

    pltpu.make_async_copy(tab_hbm.at[d0], row_v, semr).wait()
    run_dim(d0)
    pltpu.make_async_copy(tab_hbm.at[d0 + 1], row_v, semp).start()
    pltpu.make_async_copy(tab_hbm.at[d0 + 1], row_v, semp).wait()
    run_dim(d0 + 1)


def kernel(x, table):
    xt = jnp.pad(x.T, ((0, FPAD - F), (0, 0)))
    tt = table.T
    mesh = plsc.VectorSubcoreMesh(core_axis_name="c", subcore_axis_name="s")
    k = functools.partial(
        pl.kernel,
        mesh=mesh,
        out_type=jax.ShapeDtypeStruct((D, B), jnp.float32),
        scratch_types=[
            pltpu.VMEM((V,), jnp.float32),
            pltpu.VMEM((NIB, FPAD, BC), jnp.int32),
            pltpu.VMEM((NIB, BC), jnp.float32),
            pltpu.VMEM_SHARED((FPAD, B), jnp.int32),
            pltpu.SemaphoreType.DMA,
            pltpu.SemaphoreType.DMA,
            pltpu.SemaphoreType.DMA,
            pltpu.SemaphoreType.DMA,
            pltpu.SemaphoreType.DMA,
        ],
        compiler_params=pltpu.CompilerParams(
            use_tc_tiling_on_sc=True, needs_layout_passes=False
        ),
    )(_emb_body)
    out_t = k(xt, tt)
    return out_t.T

# --- scband reference (transcript-rebuilt; emitter-appended) ---
"""Pipeline reference for scband-field-embedding-16432544874938 (READ-ONLY COPY).

The authoritative reference and input builder live on the scoring server;
editing this copy changes nothing except your own understanding.
"""

import jax, jax.numpy as jnp
import numpy as np

NUM_EMBEDDINGS = 100000
EMBEDDING_DIM = 64
BATCH = 4096
N_FIELDS = 26


def setup_inputs(seed: int = 0) -> dict:
    key = jax.random.key(seed)
    k_idx, k_tab = jax.random.split(key)
    x = jax.random.randint(k_idx, (BATCH, N_FIELDS), 0, NUM_EMBEDDINGS, dtype=jnp.int64 if jax.config.jax_enable_x64 else jnp.int32)
    table = jax.random.normal(k_tab, (NUM_EMBEDDINGS, EMBEDDING_DIM), dtype=jnp.float32)
    return {"x": x, "table": table}


def reference(x, table):
    # Embedding lookup: gather rows of the table by index
    out = jnp.take(table, x, axis=0)  # [B, F, D]
    # Sum over the field dimension (dim=1)
    out = out.sum(axis=1)  # [B, D]
    return out

if __name__ == "__main__":
    import jax
    _d = setup_inputs()
    print(jax.jit(kernel)(*tuple(_d.values())))

</pallas_src>

<mosaic_0001>
#map = affine_map<(d0, d1) -> (0, 0)>
module attributes {stable_mosaic.version = 14 : i64} {
  func.func @_emb_body(%arg0: i32, %arg1: i32, %arg2: memref<32x4096xi32, #tpu.memory_space<hbm>>, %arg3: memref<64x100000xf32, #tpu.memory_space<hbm>>, %arg4: memref<64x4096xf32, #tpu.memory_space<hbm>>, %arg5: memref<100000xf32, #tpu.memory_space<vmem>>, %arg6: memref<2x32x256xi32, #tpu.memory_space<vmem>>, %arg7: memref<2x256xf32, #tpu.memory_space<vmem>>, %arg8: memref<32x4096xi32, #tpu.memory_space<vmem_shared>>, %arg9: memref<!tpu.dma_semaphore, #tpu.memory_space<semaphore_mem>>, %arg10: memref<!tpu.dma_semaphore, #tpu.memory_space<semaphore_mem>>, %arg11: memref<!tpu.dma_semaphore, #tpu.memory_space<semaphore_mem>>, %arg12: memref<!tpu.dma_semaphore, #tpu.memory_space<semaphore_mem>>, %arg13: memref<!tpu.dma_semaphore, #tpu.memory_space<semaphore_mem>>) attributes {dimension_semantics = [#tpu.dimension_semantics<core_parallel>, #tpu.dimension_semantics<subcore_parallel>], iteration_bounds = array<i64: 2, 16>, scalar_prefetch = 0 : i64, scratch_operands = 9 : i64, tpu.core_type = #tpu.core_type<sc_vector_subcore>, window_params = [{transform_indices = #map}, {transform_indices = #map}, {transform_indices = #map}]} {
    %mul3A = arith.constant 2 : i32
    %mul3A_0 = arith.muli %arg1, %mul3A : i32
    %add3A = arith.addi %mul3A_0, %arg0 : i32
    %mul3A_1 = arith.constant 2 : i32
    %mul3A_2 = arith.muli %add3A, %mul3A_1 : i32
    %dma_start3A = arith.constant 0 : i32
    %dma_start3A_3 = tpu.memref_slice %arg3[%mul3A_2, %dma_start3A] : memref<64x100000xf32, #tpu.memory_space<hbm>> -> memref<1x100000xf32, #tpu.memory_space<hbm>>
    %dma_start3A_4 = tpu.memref_squeeze %dma_start3A_3 : memref<1x100000xf32, #tpu.memory_space<hbm>> -> memref<100000xf32, #tpu.memory_space<hbm>>
    %dma_start3A_5 = arith.constant 0 : i32
    %dma_start3A_6 = tpu.memref_slice %arg3[%mul3A_2, %dma_start3A_5] : memref<64x100000xf32, #tpu.memory_space<hbm>> -> memref<1x100000xf32, #tpu.memory_space<hbm>>
    %dma_start3A_7 = tpu.memref_squeeze %dma_start3A_6 : memref<1x100000xf32, #tpu.memory_space<hbm>> -> memref<100000xf32, #tpu.memory_space<hbm>>
    tpu.enqueue_dma source(%dma_start3A_7 : memref<100000xf32, #tpu.memory_space<hbm>>) target(%arg5 : memref<100000xf32, #tpu.memory_space<vmem>>) target_semaphore(%arg11 : memref<!tpu.dma_semaphore, #tpu.memory_space<semaphore_mem>>)
    %mul3A_8 = arith.constant 256 : i32
    %mul3A_9 = arith.muli %arg1, %mul3A_8 : i32
    "tpu.region"() ({
      %run_scoped3A = tpu.sem_alloc : memref<!tpu.dma_semaphore, #tpu.memory_space<semaphore_mem>>
      %dma_start3A_126 = arith.constant 0 : i32
      %dma_start3A_127 = tpu.memref_slice %arg8[%dma_start3A_126, %mul3A_9] : memref<32x4096xi32, #tpu.memory_space<vmem_shared>> -> memref<32x256xi32, #tpu.memory_space<vmem_shared>>
      %dma_start3A_128 = arith.constant 0 : i32
      %dma_start3A_129 = tpu.memref_slice %arg2[%dma_start3A_128, %mul3A_9] : memref<32x4096xi32, #tpu.memory_space<hbm>> -> memref<32x256xi32, #tpu.memory_space<hbm>>
      tpu.enqueue_dma source(%dma_start3A_129 : memref<32x256xi32, #tpu.memory_space<hbm>>) target(%dma_start3A_127 : memref<32x256xi32, #tpu.memory_space<vmem_shared>>) target_semaphore(%run_scoped3A : memref<!tpu.dma_semaphore, #tpu.memory_space<semaphore_mem>>)
      %dma_wait3A_130 = arith.constant 0 : i32
      %dma_wait3A_131 = tpu.memref_slice %arg8[%dma_wait3A_130, %mul3A_9] : memref<32x4096xi32, #tpu.memory_space<vmem_shared>> -> memref<32x256xi32, #tpu.memory_space<vmem_shared>>
      %dma_wait3A_132 = arith.constant 0 : i32
      %dma_wait3A_133 = tpu.memref_slice %arg2[%dma_wait3A_132, %mul3A_9] : memref<32x4096xi32, #tpu.memory_space<hbm>> -> memref<32x256xi32, #tpu.memory_space<hbm>>
      tpu.wait_dma2 semaphore(%run_scoped3A : memref<!tpu.dma_semaphore, #tpu.memory_space<semaphore_mem>>) src(%dma_wait3A_133 : memref<32x256xi32, #tpu.memory_space<hbm>>) dst(%dma_wait3A_131 : memref<32x256xi32, #tpu.memory_space<vmem_shared>>)
      tpu.yield
    }) : () -> ()
    %barrier3A = arith.constant 0 : index
    tpu.barrier barrier_id(%barrier3A)
    %dma_wait3A = arith.constant 0 : i32
    %dma_wait3A_10 = tpu.memref_slice %arg3[%mul3A_2, %dma_wait3A] : memref<64x100000xf32, #tpu.memory_space<hbm>> -> memref<1x100000xf32, #tpu.memory_space<hbm>>
    %dma_wait3A_11 = tpu.memref_squeeze %dma_wait3A_10 : memref<1x100000xf32, #tpu.memory_space<hbm>> -> memref<100000xf32, #tpu.memory_space<hbm>>
    %dma_wait3A_12 = arith.constant 0 : i32
    %dma_wait3A_13 = tpu.memref_slice %arg3[%mul3A_2, %dma_wait3A_12] : memref<64x100000xf32, #tpu.memory_space<hbm>> -> memref<1x100000xf32, #tpu.memory_space<hbm>>
    %dma_wait3A_14 = tpu.memref_squeeze %dma_wait3A_13 : memref<1x100000xf32, #tpu.memory_space<hbm>> -> memref<100000xf32, #tpu.memory_space<hbm>>
    tpu.wait_dma2 semaphore(%arg11 : memref<!tpu.dma_semaphore, #tpu.memory_space<semaphore_mem>>) src(%dma_wait3A_14 : memref<100000xf32, #tpu.memory_space<hbm>>) dst(%arg5 : memref<100000xf32, #tpu.memory_space<vmem>>)
    %dma_start3A_15 = arith.constant 0 : i32
    %dma_start3A_16 = arith.constant 0 : i32
    %dma_start3A_17 = arith.constant 0 : i32
    %dma_start3A_18 = tpu.memref_slice %arg6[%dma_start3A_15, %dma_start3A_16, %dma_start3A_17] : memref<2x32x256xi32, #tpu.memory_space<vmem>> -> memref<1x32x256xi32, #tpu.memory_space<vmem>>
    %dma_start3A_19 = tpu.memref_squeeze %dma_start3A_18 : memref<1x32x256xi32, #tpu.memory_space<vmem>> -> memref<32x256xi32, #tpu.memory_space<vmem>>
    %dma_start3A_20 = arith.constant 0 : i32
    %dma_start3A_21 = arith.constant 0 : i32
    %dma_start3A_22 = tpu.memref_slice %arg8[%dma_start3A_20, %dma_start3A_21] : memref<32x4096xi32, #tpu.memory_space<vmem_shared>> -> memref<32x256xi32, #tpu.memory_space<vmem_shared>>
    %dma_start3A_23 = arith.constant 0 : i32
    %dma_start3A_24 = arith.constant 0 : i32
    %dma_start3A_25 = tpu.memref_slice %arg6[%dma_start3A_15, %dma_start3A_23, %dma_start3A_24] : memref<2x32x256xi32, #tpu.memory_space<vmem>> -> memref<1x32x256xi32, #tpu.memory_space<vmem>>
    %dma_start3A_26 = tpu.memref_squeeze %dma_start3A_25 : memref<1x32x256xi32, #tpu.memory_space<vmem>> -> memref<32x256xi32, #tpu.memory_space<vmem>>
    %dma_start3A_27 = arith.constant 0 : i32
    %dma_start3A_28 = arith.constant 0 : i32
    %dma_start3A_29 = tpu.memref_slice %arg8[%dma_start3A_27, %dma_start3A_28] : memref<32x4096xi32, #tpu.memory_space<vmem_shared>> -> memref<32x256xi32, #tpu.memory_space<vmem_shared>>
    tpu.enqueue_dma source(%dma_start3A_29 : memref<32x256xi32, #tpu.memory_space<vmem_shared>>) target(%dma_start3A_26 : memref<32x256xi32, #tpu.memory_space<vmem>>) target_semaphore(%arg9 : memref<!tpu.dma_semaphore, #tpu.memory_space<semaphore_mem>>)
    %scan3A = arith.constant 0 : i32
    %scan3A_30 = arith.constant 0 : i32
    %scan3A_31 = arith.constant 8 : i32
    %scan3A_32 = arith.addi %scan3A_30, %scan3A_31 : i32
    %scan3A_33 = arith.constant 1 : i32
    scf.for %scan3A_126 = %scan3A_30 to %scan3A_32 step %scan3A_33  : i32 {
      %mul3A_127 = arith.constant 2 : i32
      %mul3A_128 = arith.muli %scan3A_126, %mul3A_127 : i32
      %add3A_129 = arith.constant 0 : i32
      %add3A_130 = arith.addi %mul3A_128, %add3A_129 : i32
      %add3A_131 = arith.constant 1 : i32
      %add3A_132 = arith.addi %add3A_130, %add3A_131 : i32
      %lt3A = arith.constant 16 : i32
      %lt3A_133 = arith.cmpi slt, %add3A_132, %lt3A : i32
      %convert_element_type3A = arith.extui %lt3A_133 : i1 to i32
      %cond3A = arith.constant 0 : i32
      %cond3A_134 = arith.cmpi ne, %convert_element_type3A, %cond3A : i32
      scf.if %cond3A_134 {
        %add3A_221 = arith.constant 1 : i32
        %add3A_222 = arith.addi %add3A_130, %add3A_221 : i32
        %mul3A_223 = arith.constant 256 : i32
        %mul3A_224 = arith.muli %add3A_222, %mul3A_223 : i32
        %dma_start3A_225 = arith.constant 1 : i32
        %dma_start3A_226 = arith.constant 0 : i32
        %dma_start3A_227 = arith.constant 0 : i32
        %dma_start3A_228 = tpu.memref_slice %arg6[%dma_start3A_225, %dma_start3A_226, %dma_start3A_227] : memref<2x32x256xi32, #tpu.memory_space<vmem>> -> memref<1x32x256xi32, #tpu.memory_space<vmem>>
        %dma_start3A_229 = tpu.memref_squeeze %dma_start3A_228 : memref<1x32x256xi32, #tpu.memory_space<vmem>> -> memref<32x256xi32, #tpu.memory_space<vmem>>
        %dma_start3A_230 = arith.constant 0 : i32
        %dma_start3A_231 = tpu.memref_slice %arg8[%dma_start3A_230, %mul3A_224] : memref<32x4096xi32, #tpu.memory_space<vmem_shared>> -> memref<32x256xi32, #tpu.memory_space<vmem_shared>>
        %dma_start3A_232 = arith.constant 0 : i32
        %dma_start3A_233 = arith.constant 0 : i32
        %dma_start3A_234 = tpu.memref_slice %arg6[%dma_start3A_225, %dma_start3A_232, %dma_start3A_233] : memref<2x32x256xi32, #tpu.memory_space<vmem>> -> memref<1x32x256xi32, #tpu.memory_space<vmem>>
        %dma_start3A_235 = tpu.memref_squeeze %dma_start3A_234 : memref<1x32x256xi32, #tpu.memory_space<vmem>> -> memref<32x256xi32, #tpu.memory_space<vmem>>
        %dma_start3A_236 = arith.constant 0 : i32
        %dma_start3A_237 = tpu.memref_slice %arg8[%dma_start3A_236, %mul3A_224] : memref<32x4096xi32, #tpu.memory_space<vmem_shared>> -> memref<32x256xi32, #tpu.memory_space<vmem_shared>>
        tpu.enqueue_dma source(%dma_start3A_237 : memref<32x256xi32, #tpu.memory_space<vmem_shared>>) target(%dma_start3A_235 : memref<32x256xi32, #tpu.memory_space<vmem>>) target_semaphore(%arg10 : memref<!tpu.dma_semaphore, #tpu.memory_space<semaphore_mem>>)
      } else {
      }
      %dma_wait3A_135 = arith.constant 0 : i32
      %dma_wait3A_136 = arith.constant 0 : i32
      %dma_wait3A_137 = arith.constant 0 : i32
      %dma_wait3A_138 = tpu.memref_slice %arg6[%dma_wait3A_135, %dma_wait3A_136, %dma_wait3A_137] : memref<2x32x256xi32, #tpu.memory_space<vmem>> -> memref<1x32x256xi32, #tpu.memory_space<vmem>>
      %dma_wait3A_139 = tpu.memref_squeeze %dma_wait3A_138 : memref<1x32x256xi32, #tpu.memory_space<vmem>> -> memref<32x256xi32, #tpu.memory_space<vmem>>
      %dma_wait3A_140 = arith.constant 0 : i32
      %dma_wait3A_141 = arith.constant 0 : i32
      %dma_wait3A_142 = tpu.memref_slice %arg8[%dma_wait3A_140, %dma_wait3A_141] : memref<32x4096xi32, #tpu.memory_space<vmem_shared>> -> memref<32x256xi32, #tpu.memory_space<vmem_shared>>
      %dma_wait3A_143 = arith.constant 0 : i32
      %dma_wait3A_144 = arith.constant 0 : i32
      %dma_wait3A_145 = tpu.memref_slice %arg6[%dma_wait3A_135, %dma_wait3A_143, %dma_wait3A_144] : memref<2x32x256xi32, #tpu.memory_space<vmem>> -> memref<1x32x256xi32, #tpu.memory_space<vmem>>
      %dma_wait3A_146 = tpu.memref_squeeze %dma_wait3A_145 : memref<1x32x256xi32, #tpu.memory_space<vmem>> -> memref<32x256xi32, #tpu.memory_space<vmem>>
      %dma_wait3A_147 = arith.constant 0 : i32
      %dma_wait3A_148 = arith.constant 0 : i32
      %dma_wait3A_149 = tpu.memref_slice %arg8[%dma_wait3A_147, %dma_wait3A_148] : memref<32x4096xi32, #tpu.memory_space<vmem_shared>> -> memref<32x256xi32, #tpu.memory_space<vmem_shared>>
      tpu.wait_dma2 semaphore(%arg9 : memref<!tpu.dma_semaphore, #tpu.memory_space<semaphore_mem>>) src(%dma_wait3A_149 : memref<32x256xi32, #tpu.memory_space<vmem_shared>>) dst(%dma_wait3A_146 : memref<32x256xi32, #tpu.memory_space<vmem>>)
      %ge3A = arith.constant 2 : i32
      %ge3A_150 = arith.cmpi sge, %add3A_130, %ge3A : i32
      %convert_element_type3A_151 = arith.extui %ge3A_150 : i1 to i32
      %cond3A_152 = arith.constant 0 : i32
      %cond3A_153 = arith.cmpi ne, %convert_element_type3A_151, %cond3A_152 : i32
      scf.if %cond3A_153 {
        %dma_wait3A_221 = arith.constant 0 : i32
        %dma_wait3A_222 = arith.constant 0 : i32
        %dma_wait3A_223 = tpu.memref_slice %arg7[%dma_wait3A_221, %dma_wait3A_222] : memref<2x256xf32, #tpu.memory_space<vmem>> -> memref<1x256xf32, #tpu.memory_space<vmem>>
        %dma_wait3A_224 = tpu.memref_squeeze %dma_wait3A_223 : memref<1x256xf32, #tpu.memory_space<vmem>> -> memref<256xf32, #tpu.memory_space<vmem>>
        %dma_wait3A_225 = arith.constant 0 : i32
        %dma_wait3A_226 = tpu.memref_slice %arg4[%mul3A_2, %dma_wait3A_225] : memref<64x4096xf32, #tpu.memory_space<hbm>> -> memref<1x256xf32, #tpu.memory_space<hbm>>
        %dma_wait3A_227 = tpu.memref_squeeze %dma_wait3A_226 : memref<1x256xf32, #tpu.memory_space<hbm>> -> memref<256xf32, #tpu.memory_space<hbm>>
        %dma_wait3A_228 = arith.constant 0 : i32
        %dma_wait3A_229 = tpu.memref_slice %arg4[%mul3A_2, %dma_wait3A_228] : memref<64x4096xf32, #tpu.memory_space<hbm>> -> memref<1x256xf32, #tpu.memory_space<hbm>>
        %dma_wait3A_230 = tpu.memref_squeeze %dma_wait3A_229 : memref<1x256xf32, #tpu.memory_space<hbm>> -> memref<256xf32, #tpu.memory_space<hbm>>
        %dma_wait3A_231 = arith.constant 0 : i32
        %dma_wait3A_232 = tpu.memref_slice %arg7[%dma_wait3A_221, %dma_wait3A_231] : memref<2x256xf32, #tpu.memory_space<vmem>> -> memref<1x256xf32, #tpu.memory_space<vmem>>
        %dma_wait3A_233 = tpu.memref_squeeze %dma_wait3A_232 : memref<1x256xf32, #tpu.memory_space<vmem>> -> memref<256xf32, #tpu.memory_space<vmem>>
        tpu.wait_dma2 semaphore(%arg13 : memref<!tpu.dma_semaphore, #tpu.memory_space<semaphore_mem>>) src(%dma_wait3A_233 : memref<256xf32, #tpu.memory_space<vmem>>) dst(%dma_wait3A_230 : memref<256xf32, #tpu.memory_space<hbm>>)
      } else {
      }
      %scan3A_154 = arith.constant 0 : i32
      %scan3A_155 = arith.constant 0 : i32
      %scan3A_156 = arith.constant 16 : i32
      %scan3A_157 = arith.addi %scan3A_155, %scan3A_156 : i32
      %scan3A_158 = arith.constant 1 : i32
      scf.for %scan3A_221 = %scan3A_155 to %scan3A_157 step %scan3A_158  : i32 {
        %mul3A_222 = arith.constant 16 : i32
        %mul3A_223 = arith.muli %scan3A_221, %mul3A_222 : i32
        %get3A = arith.constant 0 : i32
        %get3A_224 = arith.constant 0 : i32
        %get3A_225 = arith.index_cast %get3A : i32 to index
        %get3A_226 = arith.index_cast %get3A_224 : i32 to index
        %get3A_227 = arith.index_cast %mul3A_223 : i32 to index
        %get3A_228 = tpu.vector_load %arg6[%get3A_225, %get3A_226, %get3A_227] {strides = array<i32>} : memref<2x32x256xi32, #tpu.memory_space<vmem>>, vector<16xi32>,
        %gather3A = tpu.vector_load_idx %arg5[%get3A_228] : memref<100000xf32, #tpu.memory_space<vmem>>[vector<16xi32>], vector<16xf32>,
        %get3A_229 = arith.constant 0 : i32
        %get3A_230 = arith.constant 1 : i32
        %get3A_231 = arith.index_cast %get3A_229 : i32 to index
        %get3A_232 = arith.index_cast %get3A_230 : i32 to index
        %get3A_233 = arith.index_cast %mul3A_223 : i32 to index
        %get3A_234 = tpu.vector_load %arg6[%get3A_231, %get3A_232, %get3A_233] {strides = array<i32>} : memref<2x32x256xi32, #tpu.memory_space<vmem>>, vector<16xi32>,
        %gather3A_235 = tpu.vector_load_idx %arg5[%get3A_234] : memref<100000xf32, #tpu.memory_space<vmem>>[vector<16xi32>], vector<16xf32>,
        %get3A_236 = arith.constant 0 : i32
        %get3A_237 = arith.constant 2 : i32
        %get3A_238 = arith.index_cast %get3A_236 : i32 to index
        %get3A_239 = arith.index_cast %get3A_237 : i32 to index
        %get3A_240 = arith.index_cast %mul3A_223 : i32 to index
        %get3A_241 = tpu.vector_load %arg6[%get3A_238, %get3A_239, %get3A_240] {strides = array<i32>} : memref<2x32x256xi32, #tpu.memory_space<vmem>>, vector<16xi32>,
        %gather3A_242 = tpu.vector_load_idx %arg5[%get3A_241] : memref<100000xf32, #tpu.memory_space<vmem>>[vector<16xi32>], vector<16xf32>,
        %get3A_243 = arith.constant 0 : i32
        %get3A_244 = arith.constant 3 : i32
        %get3A_245 = arith.index_cast %get3A_243 : i32 to index
        %get3A_246 = arith.index_cast %get3A_244 : i32 to index
        %get3A_247 = arith.index_cast %mul3A_223 : i32 to index
        %get3A_248 = tpu.vector_load %arg6[%get3A_245, %get3A_246, %get3A_247] {strides = array<i32>} : memref<2x32x256xi32, #tpu.memory_space<vmem>>, vector<16xi32>,
        %gather3A_249 = tpu.vector_load_idx %arg5[%get3A_248] : memref<100000xf32, #tpu.memory_space<vmem>>[vector<16xi32>], vector<16xf32>,
        %get3A_250 = arith.constant 0 : i32
        %get3A_251 = arith.constant 4 : i32
        %get3A_252 = arith.index_cast %get3A_250 : i32 to index
        %get3A_253 = arith.index_cast %get3A_251 : i32 to index
        %get3A_254 = arith.index_cast %mul3A_223 : i32 to index
        %get3A_255 = tpu.vector_load %arg6[%get3A_252, %get3A_253, %get3A_254] {strides = array<i32>} : memref<2x32x256xi32, #tpu.memory_space<vmem>>, vector<16xi32>,
        %gather3A_256 = tpu.vector_load_idx %arg5[%get3A_255] : memref<100000xf32, #tpu.memory_space<vmem>>[vector<16xi32>], vector<16xf32>,
        %get3A_257 = arith.constant 0 : i32
        %get3A_258 = arith.constant 5 : i32
        %get3A_259 = arith.index_cast %get3A_257 : i32 to index
        %get3A_260 = arith.index_cast %get3A_258 : i32 to index
        %get3A_261 = arith.index_cast %mul3A_223 : i32 to index
        %get3A_262 = tpu.vector_load %arg6[%get3A_259, %get3A_260, %get3A_261] {strides = array<i32>} : memref<2x32x256xi32, #tpu.memory_space<vmem>>, vector<16xi32>,
        %gather3A_263 = tpu.vector_load_idx %arg5[%get3A_262] : memref<100000xf32, #tpu.memory_space<vmem>>[vector<16xi32>], vector<16xf32>,
        %get3A_264 = arith.constant 0 : i32
        %get3A_265 = arith.constant 6 : i32
        %get3A_266 = arith.index_cast %get3A_264 : i32 to index
        %get3A_267 = arith.index_cast %get3A_265 : i32 to index
        %get3A_268 = arith.index_cast %mul3A_223 : i32 to index
        %get3A_269 = tpu.vector_load %arg6[%get3A_266, %get3A_267, %get3A_268] {strides = array<i32>} : memref<2x32x256xi32, #tpu.memory_space<vmem>>, vector<16xi32>,
        %gather3A_270 = tpu.vector_load_idx %arg5[%get3A_269] : memref<100000xf32, #tpu.memory_space<vmem>>[vector<16xi32>], vector<16xf32>,
        %get3A_271 = arith.constant 0 : i32
        %get3A_272 = arith.constant 7 : i32
        %get3A_273 = arith.index_cast %get3A_271 : i32 to index
        %get3A_274 = arith.index_cast %get3A_272 : i32 to index
        %get3A_275 = arith.index_cast %mul3A_223 : i32 to index
        %get3A_276 = tpu.vector_load %arg6[%get3A_273, %get3A_274, %get3A_275] {strides = array<i32>} : memref<2x32x256xi32, #tpu.memory_space<vmem>>, vector<16xi32>,
        %gather3A_277 = tpu.vector_load_idx %arg5[%get3A_276] : memref<100000xf32, #tpu.memory_space<vmem>>[vector<16xi32>], vector<16xf32>,
        %get3A_278 = arith.constant 0 : i32
        %get3A_279 = arith.constant 8 : i32
        %get3A_280 = arith.index_cast %get3A_278 : i32 to index
        %get3A_281 = arith.index_cast %get3A_279 : i32 to index
        %get3A_282 = arith.index_cast %mul3A_223 : i32 to index
        %get3A_283 = tpu.vector_load %arg6[%get3A_280, %get3A_281, %get3A_282] {strides = array<i32>} : memref<2x32x256xi32, #tpu.memory_space<vmem>>, vector<16xi32>,
        %gather3A_284 = tpu.vector_load_idx %arg5[%get3A_283] : memref<100000xf32, #tpu.memory_space<vmem>>[vector<16xi32>], vector<16xf32>,
        %get3A_285 = arith.constant 0 : i32
        %get3A_286 = arith.constant 9 : i32
        %get3A_287 = arith.index_cast %get3A_285 : i32 to index
        %get3A_288 = arith.index_cast %get3A_286 : i32 to index
        %get3A_289 = arith.index_cast %mul3A_223 : i32 to index
        %get3A_290 = tpu.vector_load %arg6[%get3A_287, %get3A_288, %get3A_289] {strides = array<i32>} : memref<2x32x256xi32, #tpu.memory_space<vmem>>, vector<16xi32>,
        %gather3A_291 = tpu.vector_load_idx %arg5[%get3A_290] : memref<100000xf32, #tpu.memory_space<vmem>>[vector<16xi32>], vector<16xf32>,
        %get3A_292 = arith.constant 0 : i32
        %get3A_293 = arith.constant 10 : i32
        %get3A_294 = arith.index_cast %get3A_292 : i32 to index
        %get3A_295 = arith.index_cast %get3A_293 : i32 to index
        %get3A_296 = arith.index_cast %mul3A_223 : i32 to index
        %get3A_297 = tpu.vector_load %arg6[%get3A_294, %get3A_295, %get3A_296] {strides = array<i32>} : memref<2x32x256xi32, #tpu.memory_space<vmem>>, vector<16xi32>,
        %gather3A_298 = tpu.vector_load_idx %arg5[%get3A_297] : memref<100000xf32, #tpu.memory_space<vmem>>[vector<16xi32>], vector<16xf32>,
        %get3A_299 = arith.constant 0 : i32
        %get3A_300 = arith.constant 11 : i32
        %get3A_301 = arith.index_cast %get3A_299 : i32 to index
        %get3A_302 = arith.index_cast %get3A_300 : i32 to index
        %get3A_303 = arith.index_cast %mul3A_223 : i32 to index
        %get3A_304 = tpu.vector_load %arg6[%get3A_301, %get3A_302, %get3A_303] {strides = array<i32>} : memref<2x32x256xi32, #tpu.memory_space<vmem>>, vector<16xi32>,
        %gather3A_305 = tpu.vector_load_idx %arg5[%get3A_304] : memref<100000xf32, #tpu.memory_space<vmem>>[vector<16xi32>], vector<16xf32>,
        %get3A_306 = arith.constant 0 : i32
        %get3A_307 = arith.constant 12 : i32
        %get3A_308 = arith.index_cast %get3A_306 : i32 to index
        %get3A_309 = arith.index_cast %get3A_307 : i32 to index
        %get3A_310 = arith.index_cast %mul3A_223 : i32 to index
        %get3A_311 = tpu.vector_load %arg6[%get3A_308, %get3A_309, %get3A_310] {strides = array<i32>} : memref<2x32x256xi32, #tpu.memory_space<vmem>>, vector<16xi32>,
        %gather3A_312 = tpu.vector_load_idx %arg5[%get3A_311] : memref<100000xf32, #tpu.memory_space<vmem>>[vector<16xi32>], vector<16xf32>,
        %get3A_313 = arith.constant 0 : i32
        %get3A_314 = arith.constant 13 : i32
        %get3A_315 = arith.index_cast %get3A_313 : i32 to index
        %get3A_316 = arith.index_cast %get3A_314 : i32 to index
        %get3A_317 = arith.index_cast %mul3A_223 : i32 to index
        %get3A_318 = tpu.vector_load %arg6[%get3A_315, %get3A_316, %get3A_317] {strides = array<i32>} : memref<2x32x256xi32, #tpu.memory_space<vmem>>, vector<16xi32>,
        %gather3A_319 = tpu.vector_load_idx %arg5[%get3A_318] : memref<100000xf32, #tpu.memory_space<vmem>>[vector<16xi32>], vector<16xf32>,
        %get3A_320 = arith.constant 0 : i32
        %get3A_321 = arith.constant 14 : i32
        %get3A_322 = arith.index_cast %get3A_320 : i32 to index
        %get3A_323 = arith.index_cast %get3A_321 : i32 to index
        %get3A_324 = arith.index_cast %mul3A_223 : i32 to index
        %get3A_325 = tpu.vector_load %arg6[%get3A_322, %get3A_323, %get3A_324] {strides = array<i32>} : memref<2x32x256xi32, #tpu.memory_space<vmem>>, vector<16xi32>,
        %gather3A_326 = tpu.vector_load_idx %arg5[%get3A_325] : memref<100000xf32, #tpu.memory_space<vmem>>[vector<16xi32>], vector<16xf32>,
        %get3A_327 = arith.constant 0 : i32
        %get3A_328 = arith.constant 15 : i32
        %get3A_329 = arith.index_cast %get3A_327 : i32 to index
        %get3A_330 = arith.index_cast %get3A_328 : i32 to index
        %get3A_331 = arith.index_cast %mul3A_223 : i32 to index
        %get3A_332 = tpu.vector_load %arg6[%get3A_329, %get3A_330, %get3A_331] {strides = array<i32>} : memref<2x32x256xi32, #tpu.memory_space<vmem>>, vector<16xi32>,
        %gather3A_333 = tpu.vector_load_idx %arg5[%get3A_332] : memref<100000xf32, #tpu.memory_space<vmem>>[vector<16xi32>], vector<16xf32>,
        %get3A_334 = arith.constant 0 : i32
        %get3A_335 = arith.constant 16 : i32
        %get3A_336 = arith.index_cast %get3A_334 : i32 to index
        %get3A_337 = arith.index_cast %get3A_335 : i32 to index
        %get3A_338 = arith.index_cast %mul3A_223 : i32 to index
        %get3A_339 = tpu.vector_load %arg6[%get3A_336, %get3A_337, %get3A_338] {strides = array<i32>} : memref<2x32x256xi32, #tpu.memory_space<vmem>>, vector<16xi32>,
        %gather3A_340 = tpu.vector_load_idx %arg5[%get3A_339] : memref<100000xf32, #tpu.memory_space<vmem>>[vector<16xi32>], vector<16xf32>,
        %get3A_341 = arith.constant 0 : i32
        %get3A_342 = arith.constant 17 : i32
        %get3A_343 = arith.index_cast %get3A_341 : i32 to index
        %get3A_344 = arith.index_cast %get3A_342 : i32 to index
        %get3A_345 = arith.index_cast %mul3A_223 : i32 to index
        %get3A_346 = tpu.vector_load %arg6[%get3A_343, %get3A_344, %get3A_345] {strides = array<i32>} : memref<2x32x256xi32, #tpu.memory_space<vmem>>, vector<16xi32>,
        %gather3A_347 = tpu.vector_load_idx %arg5[%get3A_346] : memref<100000xf32, #tpu.memory_space<vmem>>[vector<16xi32>], vector<16xf32>,
        %get3A_348 = arith.constant 0 : i32
        %get3A_349 = arith.constant 18 : i32
        %get3A_350 = arith.index_cast %get3A_348 : i32 to index
        %get3A_351 = arith.index_cast %get3A_349 : i32 to index
        %get3A_352 = arith.index_cast %mul3A_223 : i32 to index
        %get3A_353 = tpu.vector_load %arg6[%get3A_350, %get3A_351, %get3A_352] {strides = array<i32>} : memref<2x32x256xi32, #tpu.memory_space<vmem>>, vector<16xi32>,
        %gather3A_354 = tpu.vector_load_idx %arg5[%get3A_353] : memref<100000xf32, #tpu.memory_space<vmem>>[vector<16xi32>], vector<16xf32>,
        %get3A_355 = arith.constant 0 : i32
        %get3A_356 = arith.constant 19 : i32
        %get3A_357 = arith.index_cast %get3A_355 : i32 to index
        %get3A_358 = arith.index_cast %get3A_356 : i32 to index
        %get3A_359 = arith.index_cast %mul3A_223 : i32 to index
        %get3A_360 = tpu.vector_load %arg6[%get3A_357, %get3A_358, %get3A_359] {strides = array<i32>} : memref<2x32x256xi32, #tpu.memory_space<vmem>>, vector<16xi32>,
        %gather3A_361 = tpu.vector_load_idx %arg5[%get3A_360] : memref<100000xf32, #tpu.memory_space<vmem>>[vector<16xi32>], vector<16xf32>,
        %get3A_362 = arith.constant 0 : i32
        %get3A_363 = arith.constant 20 : i32
        %get3A_364 = arith.index_cast %get3A_362 : i32 to index
        %get3A_365 = arith.index_cast %get3A_363 : i32 to index
        %get3A_366 = arith.index_cast %mul3A_223 : i32 to index
        %get3A_367 = tpu.vector_load %arg6[%get3A_364, %get3A_365, %get3A_366] {strides = array<i32>} : memref<2x32x256xi32, #tpu.memory_space<vmem>>, vector<16xi32>,
        %gather3A_368 = tpu.vector_load_idx %arg5[%get3A_367] : memref<100000xf32, #tpu.memory_space<vmem>>[vector<16xi32>], vector<16xf32>,
        %get3A_369 = arith.constant 0 : i32
        %get3A_370 = arith.constant 21 : i32
        %get3A_371 = arith.index_cast %get3A_369 : i32 to index
        %get3A_372 = arith.index_cast %get3A_370 : i32 to index
        %get3A_373 = arith.index_cast %mul3A_223 : i32 to index
        %get3A_374 = tpu.vector_load %arg6[%get3A_371, %get3A_372, %get3A_373] {strides = array<i32>} : memref<2x32x256xi32, #tpu.memory_space<vmem>>, vector<16xi32>,
        %gather3A_375 = tpu.vector_load_idx %arg5[%get3A_374] : memref<100000xf32, #tpu.memory_space<vmem>>[vector<16xi32>], vector<16xf32>,
        %get3A_376 = arith.constant 0 : i32
        %get3A_377 = arith.constant 22 : i32
        %get3A_378 = arith.index_cast %get3A_376 : i32 to index
        %get3A_379 = arith.index_cast %get3A_377 : i32 to index
        %get3A_380 = arith.index_cast %mul3A_223 : i32 to index
        %get3A_381 = tpu.vector_load %arg6[%get3A_378, %get3A_379, %get3A_380] {strides = array<i32>} : memref<2x32x256xi32, #tpu.memory_space<vmem>>, vector<16xi32>,
        %gather3A_382 = tpu.vector_load_idx %arg5[%get3A_381] : memref<100000xf32, #tpu.memory_space<vmem>>[vector<16xi32>], vector<16xf32>,
        %get3A_383 = arith.constant 0 : i32
        %get3A_384 = arith.constant 23 : i32
        %get3A_385 = arith.index_cast %get3A_383 : i32 to index
        %get3A_386 = arith.index_cast %get3A_384 : i32 to index
        %get3A_387 = arith.index_cast %mul3A_223 : i32 to index
        %get3A_388 = tpu.vector_load %arg6[%get3A_385, %get3A_386, %get3A_387] {strides = array<i32>} : memref<2x32x256xi32, #tpu.memory_space<vmem>>, vector<16xi32>,
        %gather3A_389 = tpu.vector_load_idx %arg5[%get3A_388] : memref<100000xf32, #tpu.memory_space<vmem>>[vector<16xi32>], vector<16xf32>,
        %get3A_390 = arith.constant 0 : i32
        %get3A_391 = arith.constant 24 : i32
        %get3A_392 = arith.index_cast %get3A_390 : i32 to index
        %get3A_393 = arith.index_cast %get3A_391 : i32 to index
        %get3A_394 = arith.index_cast %mul3A_223 : i32 to index
        %get3A_395 = tpu.vector_load %arg6[%get3A_392, %get3A_393, %get3A_394] {strides = array<i32>} : memref<2x32x256xi32, #tpu.memory_space<vmem>>, vector<16xi32>,
        %gather3A_396 = tpu.vector_load_idx %arg5[%get3A_395] : memref<100000xf32, #tpu.memory_space<vmem>>[vector<16xi32>], vector<16xf32>,
        %get3A_397 = arith.constant 0 : i32
        %get3A_398 = arith.constant 25 : i32
        %get3A_399 = arith.index_cast %get3A_397 : i32 to index
        %get3A_400 = arith.index_cast %get3A_398 : i32 to index
        %get3A_401 = arith.index_cast %mul3A_223 : i32 to index
        %get3A_402 = tpu.vector_load %arg6[%get3A_399, %get3A_400, %get3A_401] {strides = array<i32>} : memref<2x32x256xi32, #tpu.memory_space<vmem>>, vector<16xi32>,
        %gather3A_403 = tpu.vector_load_idx %arg5[%get3A_402] : memref<100000xf32, #tpu.memory_space<vmem>>[vector<16xi32>], vector<16xf32>,
        %add3A_404 = arith.addf %gather3A, %gather3A_235 : vector<16xf32>
        %add3A_405 = arith.addf %gather3A_242, %gather3A_249 : vector<16xf32>
        %add3A_406 = arith.addf %gather3A_256, %gather3A_263 : vector<16xf32>
        %add3A_407 = arith.addf %gather3A_270, %gather3A_277 : vector<16xf32>
        %add3A_408 = arith.addf %gather3A_284, %gather3A_291 : vector<16xf32>
        %add3A_409 = arith.addf %gather3A_298, %gather3A_305 : vector<16xf32>
        %add3A_410 = arith.addf %gather3A_312, %gather3A_319 : vector<16xf32>
        %add3A_411 = arith.addf %gather3A_326, %gather3A_333 : vector<16xf32>
        %add3A_412 = arith.addf %gather3A_340, %gather3A_347 : vector<16xf32>
        %add3A_413 = arith.addf %gather3A_354, %gather3A_361 : vector<16xf32>
        %add3A_414 = arith.addf %gather3A_368, %gather3A_375 : vector<16xf32>
        %add3A_415 = arith.addf %gather3A_382, %gather3A_389 : vector<16xf32>
        %add3A_416 = arith.addf %gather3A_396, %gather3A_403 : vector<16xf32>
        %add3A_417 = arith.addf %add3A_404, %add3A_405 : vector<16xf32>
        %add3A_418 = arith.addf %add3A_406, %add3A_407 : vector<16xf32>
        %add3A_419 = arith.addf %add3A_408, %add3A_409 : vector<16xf32>
        %add3A_420 = arith.addf %add3A_410, %add3A_411 : vector<16xf32>
        %add3A_421 = arith.addf %add3A_412, %add3A_413 : vector<16xf32>
        %add3A_422 = arith.addf %add3A_414, %add3A_415 : vector<16xf32>
        %add3A_423 = arith.addf %add3A_417, %add3A_418 : vector<16xf32>
        %add3A_424 = arith.addf %add3A_419, %add3A_420 : vector<16xf32>
        %add3A_425 = arith.addf %add3A_421, %add3A_422 : vector<16xf32>
        %add3A_426 = arith.addf %add3A_423, %add3A_424 : vector<16xf32>
        %add3A_427 = arith.addf %add3A_425, %add3A_416 : vector<16xf32>
        %add3A_428 = arith.addf %add3A_426, %add3A_427 : vector<16xf32>
        %swap3A = arith.constant 0 : i32
        %swap3A_429 = arith.index_cast %swap3A : i32 to index
        %swap3A_430 = arith.index_cast %mul3A_223 : i32 to index
        %swap3A_431 = tpu.vector_load %arg7[%swap3A_429, %swap3A_430] {strides = array<i32>} : memref<2x256xf32, #tpu.memory_space<vmem>>, vector<16xf32>,
        tpu.vector_store %arg7[%swap3A_429, %swap3A_430], %add3A_428 {strides = array<i32>} : memref<2x256xf32, #tpu.memory_space<vmem>>, vector<16xf32>,
      }
      %scan3A_159 = arith.constant 16 : i32
      %mul3A_160 = arith.constant 256 : i32
      %mul3A_161 = arith.muli %add3A_130, %mul3A_160 : i32
      %dma_start3A_162 = arith.constant 0 : i32
      %dma_start3A_163 = arith.constant 0 : i32
      %dma_start3A_164 = tpu.memref_slice %arg7[%dma_start3A_162, %dma_start3A_163] : memref<2x256xf32, #tpu.memory_space<vmem>> -> memref<1x256xf32, #tpu.memory_space<vmem>>
      %dma_start3A_165 = tpu.memref_squeeze %dma_start3A_164 : memref<1x256xf32, #tpu.memory_space<vmem>> -> memref<256xf32, #tpu.memory_space<vmem>>
      %dma_start3A_166 = tpu.memref_slice %arg4[%mul3A_2, %mul3A_161] : memref<64x4096xf32, #tpu.memory_space<hbm>> -> memref<1x256xf32, #tpu.memory_space<hbm>>
      %dma_start3A_167 = tpu.memref_squeeze %dma_start3A_166 : memref<1x256xf32, #tpu.memory_space<hbm>> -> memref<256xf32, #tpu.memory_space<hbm>>
      %dma_start3A_168 = tpu.memref_slice %arg4[%mul3A_2, %mul3A_161] : memref<64x4096xf32, #tpu.memory_space<hbm>> -> memref<1x256xf32, #tpu.memory_space<hbm>>
      %dma_start3A_169 = tpu.memref_squeeze %dma_start3A_168 : memref<1x256xf32, #tpu.memory_space<hbm>> -> memref<256xf32, #tpu.memory_space<hbm>>
      %dma_start3A_170 = arith.constant 0 : i32
      %dma_start3A_171 = tpu.memref_slice %arg7[%dma_start3A_162, %dma_start3A_170] : memref<2x256xf32, #tpu.memory_space<vmem>> -> memref<1x256xf32, #tpu.memory_space<vmem>>
      %dma_start3A_172 = tpu.memref_squeeze %dma_start3A_171 : memref<1x256xf32, #tpu.memory_space<vmem>> -> memref<256xf32, #tpu.memory_space<vmem>>
      tpu.enqueue_dma source(%dma_start3A_172 : memref<256xf32, #tpu.memory_space<vmem>>) target(%dma_start3A_169 : memref<256xf32, #tpu.memory_space<hbm>>) target_semaphore(%arg13 : memref<!tpu.dma_semaphore, #tpu.memory_space<semaphore_mem>>)
      %add3A_173 = arith.constant 1 : i32
      %add3A_174 = arith.addi %mul3A_128, %add3A_173 : i32
      %add3A_175 = arith.constant 1 : i32
      %add3A_176 = arith.addi %add3A_174, %add3A_175 : i32
      %lt3A_177 = arith.constant 16 : i32
      %lt3A_178 = arith.cmpi slt, %add3A_176, %lt3A_177 : i32
      %convert_element_type3A_179 = arith.extui %lt3A_178 : i1 to i32
      %cond3A_180 = arith.constant 0 : i32
      %cond3A_181 = arith.cmpi ne, %convert_element_type3A_179, %cond3A_180 : i32
      scf.if %cond3A_181 {
        %add3A_221 = arith.constant 1 : i32
        %add3A_222 = arith.addi %add3A_174, %add3A_221 : i32
        %mul3A_223 = arith.constant 256 : i32
        %mul3A_224 = arith.muli %add3A_222, %mul3A_223 : i32
        %dma_start3A_225 = arith.constant 0 : i32
        %dma_start3A_226 = arith.constant 0 : i32
        %dma_start3A_227 = arith.constant 0 : i32
        %dma_start3A_228 = tpu.memref_slice %arg6[%dma_start3A_225, %dma_start3A_226, %dma_start3A_227] : memref<2x32x256xi32, #tpu.memory_space<vmem>> -> memref<1x32x256xi32, #tpu.memory_space<vmem>>
        %dma_start3A_229 = tpu.memref_squeeze %dma_start3A_228 : memref<1x32x256xi32, #tpu.memory_space<vmem>> -> memref<32x256xi32, #tpu.memory_space<vmem>>
        %dma_start3A_230 = arith.constant 0 : i32
        %dma_start3A_231 = tpu.memref_slice %arg8[%dma_start3A_230, %mul3A_224] : memref<32x4096xi32, #tpu.memory_space<vmem_shared>> -> memref<32x256xi32, #tpu.memory_space<vmem_shared>>
        %dma_start3A_232 = arith.constant 0 : i32
        %dma_start3A_233 = arith.constant 0 : i32
        %dma_start3A_234 = tpu.memref_slice %arg6[%dma_start3A_225, %dma_start3A_232, %dma_start3A_233] : memref<2x32x256xi32, #tpu.memory_space<vmem>> -> memref<1x32x256xi32, #tpu.memory_space<vmem>>
        %dma_start3A_235 = tpu.memref_squeeze %dma_start3A_234 : memref<1x32x256xi32, #tpu.memory_space<vmem>> -> memref<32x256xi32, #tpu.memory_space<vmem>>
        %dma_start3A_236 = arith.constant 0 : i32
        %dma_start3A_237 = tpu.memref_slice %arg8[%dma_start3A_236, %mul3A_224] : memref<32x4096xi32, #tpu.memory_space<vmem_shared>> -> memref<32x256xi32, #tpu.memory_space<vmem_shared>>
        tpu.enqueue_dma source(%dma_start3A_237 : memref<32x256xi32, #tpu.memory_space<vmem_shared>>) target(%dma_start3A_235 : memref<32x256xi32, #tpu.memory_space<vmem>>) target_semaphore(%arg9 : memref<!tpu.dma_semaphore, #tpu.memory_space<semaphore_mem>>)
      } else {
      }
      %dma_wait3A_182 = arith.constant 1 : i32
      %dma_wait3A_183 = arith.constant 0 : i32
      %dma_wait3A_184 = arith.constant 0 : i32
      %dma_wait3A_185 = tpu.memref_slice %arg6[%dma_wait3A_182, %dma_wait3A_183, %dma_wait3A_184] : memref<2x32x256xi32, #tpu.memory_space<vmem>> -> memref<1x32x256xi32, #tpu.memory_space<vmem>>
      %dma_wait3A_186 = tpu.memref_squeeze %dma_wait3A_185 : memref<1x32x256xi32, #tpu.memory_space<vmem>> -> memref<32x256xi32, #tpu.memory_space<vmem>>
      %dma_wait3A_187 = arith.constant 0 : i32
      %dma_wait3A_188 = arith.constant 0 : i32
      %dma_wait3A_189 = tpu.memref_slice %arg8[%dma_wait3A_187, %dma_wait3A_188] : memref<32x4096xi32, #tpu.memory_space<vmem_shared>> -> memref<32x256xi32, #tpu.memory_space<vmem_shared>>
      %dma_wait3A_190 = arith.constant 0 : i32
      %dma_wait3A_191 = arith.constant 0 : i32
      %dma_wait3A_192 = tpu.memref_slice %arg6[%dma_wait3A_182, %dma_wait3A_190, %dma_wait3A_191] : memref<2x32x256xi32, #tpu.memory_space<vmem>> -> memref<1x32x256xi32, #tpu.memory_space<vmem>>
      %dma_wait3A_193 = tpu.memref_squeeze %dma_wait3A_192 : memref<1x32x256xi32, #tpu.memory_space<vmem>> -> memref<32x256xi32, #tpu.memory_space<vmem>>
      %dma_wait3A_194 = arith.constant 0 : i32
      %dma_wait3A_195 = arith.constant 0 : i32
      %dma_wait3A_196 = tpu.memref_slice %arg8[%dma_wait3A_194, %dma_wait3A_195] : memref<32x4096xi32, #tpu.memory_space<vmem_shared>> -> memref<32x256xi32, #tpu.memory_space<vmem_shared>>
      tpu.wait_dma2 semaphore(%arg10 : memref<!tpu.dma_semaphore, #tpu.memory_space<semaphore_mem>>) src(%dma_wait3A_196 : memref<32x256xi32, #tpu.memory_space<vmem_shared>>) dst(%dma_wait3A_193 : memref<32x256xi32, #tpu.memory_space<vmem>>)
      %ge3A_197 = arith.constant 2 : i32
      %ge3A_198 = arith.cmpi sge, %add3A_174, %ge3A_197 : i32
      %convert_element_type3A_199 = arith.extui %ge3A_198 : i1 to i32
      %cond3A_200 = arith.constant 0 : i32
      %cond3A_201 = arith.cmpi ne, %convert_element_type3A_199, %cond3A_200 : i32
      scf.if %cond3A_201 {
        %dma_wait3A_221 = arith.constant 1 : i32
        %dma_wait3A_222 = arith.constant 0 : i32
        %dma_wait3A_223 = tpu.memref_slice %arg7[%dma_wait3A_221, %dma_wait3A_222] : memref<2x256xf32, #tpu.memory_space<vmem>> -> memref<1x256xf32, #tpu.memory_space<vmem>>
        %dma_wait3A_224 = tpu.memref_squeeze %dma_wait3A_223 : memref<1x256xf32, #tpu.memory_space<vmem>> -> memref<256xf32, #tpu.memory_space<vmem>>
        %dma_wait3A_225 = arith.constant 0 : i32
        %dma_wait3A_226 = tpu.memref_slice %arg4[%mul3A_2, %dma_wait3A_225] : memref<64x4096xf32, #tpu.memory_space<hbm>> -> memref<1x256xf32, #tpu.memory_space<hbm>>
        %dma_wait3A_227 = tpu.memref_squeeze %dma_wait3A_226 : memref<1x256xf32, #tpu.memory_space<hbm>> -> memref<256xf32, #tpu.memory_space<hbm>>
        %dma_wait3A_228 = arith.constant 0 : i32
        %dma_wait3A_229 = tpu.memref_slice %arg4[%mul3A_2, %dma_wait3A_228] : memref<64x4096xf32, #tpu.memory_space<hbm>> -> memref<1x256xf32, #tpu.memory_space<hbm>>
        %dma_wait3A_230 = tpu.memref_squeeze %dma_wait3A_229 : memref<1x256xf32, #tpu.memory_space<hbm>> -> memref<256xf32, #tpu.memory_space<hbm>>
        %dma_wait3A_231 = arith.constant 0 : i32
        %dma_wait3A_232 = tpu.memref_slice %arg7[%dma_wait3A_221, %dma_wait3A_231] : memref<2x256xf32, #tpu.memory_space<vmem>> -> memref<1x256xf32, #tpu.memory_space<vmem>>
        %dma_wait3A_233 = tpu.memref_squeeze %dma_wait3A_232 : memref<1x256xf32, #tpu.memory_space<vmem>> -> memref<256xf32, #tpu.memory_space<vmem>>
        tpu.wait_dma2 semaphore(%arg13 : memref<!tpu.dma_semaphore, #tpu.memory_space<semaphore_mem>>) src(%dma_wait3A_233 : memref<256xf32, #tpu.memory_space<vmem>>) dst(%dma_wait3A_230 : memref<256xf32, #tpu.memory_space<hbm>>)
      } else {
      }
      %scan3A_202 = arith.constant 0 : i32
      %scan3A_203 = arith.constant 0 : i32
      %scan3A_204 = arith.constant 16 : i32
      %scan3A_205 = arith.addi %scan3A_203, %scan3A_204 : i32
      %scan3A_206 = arith.constant 1 : i32
      scf.for %scan3A_221 = %scan3A_203 to %scan3A_205 step %scan3A_206  : i32 {
        %mul3A_222 = arith.constant 16 : i32
        %mul3A_223 = arith.muli %scan3A_221, %mul3A_222 : i32
        %get3A = arith.constant 1 : i32
        %get3A_224 = arith.constant 0 : i32
        %get3A_225 = arith.index_cast %get3A : i32 to index
        %get3A_226 = arith.index_cast %get3A_224 : i32 to index
        %get3A_227 = arith.index_cast %mul3A_223 : i32 to index
        %get3A_228 = tpu.vector_load %arg6[%get3A_225, %get3A_226, %get3A_227] {strides = array<i32>} : memref<2x32x256xi32, #tpu.memory_space<vmem>>, vector<16xi32>,
        %gather3A = tpu.vector_load_idx %arg5[%get3A_228] : memref<100000xf32, #tpu.memory_space<vmem>>[vector<16xi32>], vector<16xf32>,
        %get3A_229 = arith.constant 1 : i32
        %get3A_230 = arith.constant 1 : i32
        %get3A_231 = arith.index_cast %get3A_229 : i32 to index
        %get3A_232 = arith.index_cast %get3A_230 : i32 to index
        %get3A_233 = arith.index_cast %mul3A_223 : i32 to index
        %get3A_234 = tpu.vector_load %arg6[%get3A_231, %get3A_232, %get3A_233] {strides = array<i32>} : memref<2x32x256xi32, #tpu.memory_space<vmem>>, vector<16xi32>,
        %gather3A_235 = tpu.vector_load_idx %arg5[%get3A_234] : memref<100000xf32, #tpu.memory_space<vmem>>[vector<16xi32>], vector<16xf32>,
        %get3A_236 = arith.constant 1 : i32
        %get3A_237 = arith.constant 2 : i32
        %get3A_238 = arith.index_cast %get3A_236 : i32 to index
        %get3A_239 = arith.index_cast %get3A_237 : i32 to index
        %get3A_240 = arith.index_cast %mul3A_223 : i32 to index
        %get3A_241 = tpu.vector_load %arg6[%get3A_238, %get3A_239, %get3A_240] {strides = array<i32>} : memref<2x32x256xi32, #tpu.memory_space<vmem>>, vector<16xi32>,
        %gather3A_242 = tpu.vector_load_idx %arg5[%get3A_241] : memref<100000xf32, #tpu.memory_space<vmem>>[vector<16xi32>], vector<16xf32>,
        %get3A_243 = arith.constant 1 : i32
        %get3A_244 = arith.constant 3 : i32
        %get3A_245 = arith.index_cast %get3A_243 : i32 to index
        %get3A_246 = arith.index_cast %get3A_244 : i32 to index
        %get3A_247 = arith.index_cast %mul3A_223 : i32 to index
        %get3A_248 = tpu.vector_load %arg6[%get3A_245, %get3A_246, %get3A_247] {strides = array<i32>} : memref<2x32x256xi32, #tpu.memory_space<vmem>>, vector<16xi32>,
        %gather3A_249 = tpu.vector_load_idx %arg5[%get3A_248] : memref<100000xf32, #tpu.memory_space<vmem>>[vector<16xi32>], vector<16xf32>,
        %get3A_250 = arith.constant 1 : i32
        %get3A_251 = arith.constant 4 : i32
        %get3A_252 = arith.index_cast %get3A_250 : i32 to index
        %get3A_253 = arith.index_cast %get3A_251 : i32 to index
        %get3A_254 = arith.index_cast %mul3A_223 : i32 to index
        %get3A_255 = tpu.vector_load %arg6[%get3A_252, %get3A_253, %get3A_254] {strides = array<i32>} : memref<2x32x256xi32, #tpu.memory_space<vmem>>, vector<16xi32>,
        %gather3A_256 = tpu.vector_load_idx %arg5[%get3A_255] : memref<100000xf32, #tpu.memory_space<vmem>>[vector<16xi32>], vector<16xf32>,
        %get3A_257 = arith.constant 1 : i32
        %get3A_258 = arith.constant 5 : i32
        %get3A_259 = arith.index_cast %get3A_257 : i32 to index
        %get3A_260 = arith.index_cast %get3A_258 : i32 to index
        %get3A_261 = arith.index_cast %mul3A_223 : i32 to index
        %get3A_262 = tpu.vector_load %arg6[%get3A_259, %get3A_260, %get3A_261] {strides = array<i32>} : memref<2x32x256xi32, #tpu.memory_space<vmem>>, vector<16xi32>,
        %gather3A_263 = tpu.vector_load_idx %arg5[%get3A_262] : memref<100000xf32, #tpu.memory_space<vmem>>[vector<16xi32>], vector<16xf32>,
        %get3A_264 = arith.constant 1 : i32
        %get3A_265 = arith.constant 6 : i32
        %get3A_266 = arith.index_cast %get3A_264 : i32 to index
        %get3A_267 = arith.index_cast %get3A_265 : i32 to index
        %get3A_268 = arith.index_cast %mul3A_223 : i32 to index
        %get3A_269 = tpu.vector_load %arg6[%get3A_266, %get3A_267, %get3A_268] {strides = array<i32>} : memref<2x32x256xi32, #tpu.memory_space<vmem>>, vector<16xi32>,
        %gather3A_270 = tpu.vector_load_idx %arg5[%get3A_269] : memref<100000xf32, #tpu.memory_space<vmem>>[vector<16xi32>], vector<16xf32>,
        %get3A_271 = arith.constant 1 : i32
        %get3A_272 = arith.constant 7 : i32
        %get3A_273 = arith.index_cast %get3A_271 : i32 to index
        %get3A_274 = arith.index_cast %get3A_272 : i32 to index
        %get3A_275 = arith.index_cast %mul3A_223 : i32 to index
        %get3A_276 = tpu.vector_load %arg6[%get3A_273, %get3A_274, %get3A_275] {strides = array<i32>} : memref<2x32x256xi32, #tpu.memory_space<vmem>>, vector<16xi32>,
        %gather3A_277 = tpu.vector_load_idx %arg5[%get3A_276] : memref<100000xf32, #tpu.memory_space<vmem>>[vector<16xi32>], vector<16xf32>,
        %get3A_278 = arith.constant 1 : i32
        %get3A_279 = arith.constant 8 : i32
        %get3A_280 = arith.index_cast %get3A_278 : i32 to index
        %get3A_281 = arith.index_cast %get3A_279 : i32 to index
        %get3A_282 = arith.index_cast %mul3A_223 : i32 to index
        %get3A_283 = tpu.vector_load %arg6[%get3A_280, %get3A_281, %get3A_282] {strides = array<i32>} : memref<2x32x256xi32, #tpu.memory_space<vmem>>, vector<16xi32>,
        %gather3A_284 = tpu.vector_load_idx %arg5[%get3A_283] : memref<100000xf32, #tpu.memory_space<vmem>>[vector<16xi32>], vector<16xf32>,
        %get3A_285 = arith.constant 1 : i32
        %get3A_286 = arith.constant 9 : i32
        %get3A_287 = arith.index_cast %get3A_285 : i32 to index
        %get3A_288 = arith.index_cast %get3A_286 : i32 to index
        %get3A_289 = arith.index_cast %mul3A_223 : i32 to index
        %get3A_290 = tpu.vector_load %arg6[%get3A_287, %get3A_288, %get3A_289] {strides = array<i32>} : memref<2x32x256xi32, #tpu.memory_space<vmem>>, vector<16xi32>,
        %gather3A_291 = tpu.vector_load_idx %arg5[%get3A_290] : memref<100000xf32, #tpu.memory_space<vmem>>[vector<16xi32>], vector<16xf32>,
        %get3A_292 = arith.constant 1 : i32
        %get3A_293 = arith.constant 10 : i32
        %get3A_294 = arith.index_cast %get3A_292 : i32 to index
        %get3A_295 = arith.index_cast %get3A_293 : i32 to index
        %get3A_296 = arith.index_cast %mul3A_223 : i32 to index
        %get3A_297 = tpu.vector_load %arg6[%get3A_294, %get3A_295, %get3A_296] {strides = array<i32>} : memref<2x32x256xi32, #tpu.memory_space<vmem>>, vector<16xi32>,
        %gather3A_298 = tpu.vector_load_idx %arg5[%get3A_297] : memref<100000xf32, #tpu.memory_space<vmem>>[vector<16xi32>], vector<16xf32>,
        %get3A_299 = arith.constant 1 : i32
        %get3A_300 = arith.constant 11 : i32
        %get3A_301 = arith.index_cast %get3A_299 : i32 to index
        %get3A_302 = arith.index_cast %get3A_300 : i32 to index
        %get3A_303 = arith.index_cast %mul3A_223 : i32 to index
        %get3A_304 = tpu.vector_load %arg6[%get3A_301, %get3A_302, %get3A_303] {strides = array<i32>} : memref<2x32x256xi32, #tpu.memory_space<vmem>>, vector<16xi32>,
        %gather3A_305 = tpu.vector_load_idx %arg5[%get3A_304] : memref<100000xf32, #tpu.memory_space<vmem>>[vector<16xi32>], vector<16xf32>,
        %get3A_306 = arith.constant 1 : i32
        %get3A_307 = arith.constant 12 : i32
        %get3A_308 = arith.index_cast %get3A_306 : i32 to index
        %get3A_309 = arith.index_cast %get3A_307 : i32 to index
        %get3A_310 = arith.index_cast %mul3A_223 : i32 to index
        %get3A_311 = tpu.vector_load %arg6[%get3A_308, %get3A_309, %get3A_310] {strides = array<i32>} : memref<2x32x256xi32, #tpu.memory_space<vmem>>, vector<16xi32>,
        %gather3A_312 = tpu.vector_load_idx %arg5[%get3A_311] : memref<100000xf32, #tpu.memory_space<vmem>>[vector<16xi32>], vector<16xf32>,
        %get3A_313 = arith.constant 1 : i32
        %get3A_314 = arith.constant 13 : i32
        %get3A_315 = arith.index_cast %get3A_313 : i32 to index
        %get3A_316 = arith.index_cast %get3A_314 : i32 to index
        %get3A_317 = arith.index_cast %mul3A_223 : i32 to index
        %get3A_318 = tpu.vector_load %arg6[%get3A_315, %get3A_316, %get3A_317] {strides = array<i32>} : memref<2x32x256xi32, #tpu.memory_space<vmem>>, vector<16xi32>,
        %gather3A_319 = tpu.vector_load_idx %arg5[%get3A_318] : memref<100000xf32, #tpu.memory_space<vmem>>[vector<16xi32>], vector<16xf32>,
        %get3A_320 = arith.constant 1 : i32
        %get3A_321 = arith.constant 14 : i32
        %get3A_322 = arith.index_cast %get3A_320 : i32 to index
        %get3A_323 = arith.index_cast %get3A_321 : i32 to index
        %get3A_324 = arith.index_cast %mul3A_223 : i32 to index
        %get3A_325 = tpu.vector_load %arg6[%get3A_322, %get3A_323, %get3A_324] {strides = array<i32>} : memref<2x32x256xi32, #tpu.memory_space<vmem>>, vector<16xi32>,
        %gather3A_326 = tpu.vector_load_idx %arg5[%get3A_325] : memref<100000xf32, #tpu.memory_space<vmem>>[vector<16xi32>], vector<16xf32>,
        %get3A_327 = arith.constant 1 : i32
        %get3A_328 = arith.constant 15 : i32
        %get3A_329 = arith.index_cast %get3A_327 : i32 to index
        %get3A_330 = arith.index_cast %get3A_328 : i32 to index
        %get3A_331 = arith.index_cast %mul3A_223 : i32 to index
        %get3A_332 = tpu.vector_load %arg6[%get3A_329, %get3A_330, %get3A_331] {strides = array<i32>} : memref<2x32x256xi32, #tpu.memory_space<vmem>>, vector<16xi32>,
        %gather3A_333 = tpu.vector_load_idx %arg5[%get3A_332] : memref<100000xf32, #tpu.memory_space<vmem>>[vector<16xi32>], vector<16xf32>,
        %get3A_334 = arith.constant 1 : i32
        %get3A_335 = arith.constant 16 : i32
        %get3A_336 = arith.index_cast %get3A_334 : i32 to index
        %get3A_337 = arith.index_cast %get3A_335 : i32 to index
        %get3A_338 = arith.index_cast %mul3A_223 : i32 to index
        %get3A_339 = tpu.vector_load %arg6[%get3A_336, %get3A_337, %get3A_338] {strides = array<i32>} : memref<2x32x256xi32, #tpu.memory_space<vmem>>, vector<16xi32>,
        %gather3A_340 = tpu.vector_load_idx %arg5[%get3A_339] : memref<100000xf32, #tpu.memory_space<vmem>>[vector<16xi32>], vector<16xf32>,
        %get3A_341 = arith.constant 1 : i32
        %get3A_342 = arith.constant 17 : i32
        %get3A_343 = arith.index_cast %get3A_341 : i32 to index
        %get3A_344 = arith.index_cast %get3A_342 : i32 to index
        %get3A_345 = arith.index_cast %mul3A_223 : i32 to index
        %get3A_346 = tpu.vector_load %arg6[%get3A_343, %get3A_344, %get3A_345] {strides = array<i32>} : memref<2x32x256xi32, #tpu.memory_space<vmem>>, vector<16xi32>,
        %gather3A_347 = tpu.vector_load_idx %arg5[%get3A_346] : memref<100000xf32, #tpu.memory_space<vmem>>[vector<16xi32>], vector<16xf32>,
        %get3A_348 = arith.constant 1 : i32
        %get3A_349 = arith.constant 18 : i32
        %get3A_350 = arith.index_cast %get3A_348 : i32 to index
        %get3A_351 = arith.index_cast %get3A_349 : i32 to index
        %get3A_352 = arith.index_cast %mul3A_223 : i32 to index
        %get3A_353 = tpu.vector_load %arg6[%get3A_350, %get3A_351, %get3A_352] {strides = array<i32>} : memref<2x32x256xi32, #tpu.memory_space<vmem>>, vector<16xi32>,
        %gather3A_354 = tpu.vector_load_idx %arg5[%get3A_353] : memref<100000xf32, #tpu.memory_space<vmem>>[vector<16xi32>], vector<16xf32>,
        %get3A_355 = arith.constant 1 : i32
        %get3A_356 = arith.constant 19 : i32
        %get3A_357 = arith.index_cast %get3A_355 : i32 to index
        %get3A_358 = arith.index_cast %get3A_356 : i32 to index
        %get3A_359 = arith.index_cast %mul3A_223 : i32 to index
        %get3A_360 = tpu.vector_load %arg6[%get3A_357, %get3A_358, %get3A_359] {strides = array<i32>} : memref<2x32x256xi32, #tpu.memory_space<vmem>>, vector<16xi32>,
        %gather3A_361 = tpu.vector_load_idx %arg5[%get3A_360] : memref<100000xf32, #tpu.memory_space<vmem>>[vector<16xi32>], vector<16xf32>,
        %get3A_362 = arith.constant 1 : i32
        %get3A_363 = arith.constant 20 : i32
        %get3A_364 = arith.index_cast %get3A_362 : i32 to index
        %get3A_365 = arith.index_cast %get3A_363 : i32 to index
        %get3A_366 = arith.index_cast %mul3A_223 : i32 to index
        %get3A_367 = tpu.vector_load %arg6[%get3A_364, %get3A_365, %get3A_366] {strides = array<i32>} : memref<2x32x256xi32, #tpu.memory_space<vmem>>, vector<16xi32>,
        %gather3A_368 = tpu.vector_load_idx %arg5[%get3A_367] : memref<100000xf32, #tpu.memory_space<vmem>>[vector<16xi32>], vector<16xf32>,
        %get3A_369 = arith.constant 1 : i32
        %get3A_370 = arith.constant 21 : i32
        %get3A_371 = arith.index_cast %get3A_369 : i32 to index
        %get3A_372 = arith.index_cast %get3A_370 : i32 to index
        %get3A_373 = arith.index_cast %mul3A_223 : i32 to index
        %get3A_374 = tpu.vector_load %arg6[%get3A_371, %get3A_372, %get3A_373] {strides = array<i32>} : memref<2x32x256xi32, #tpu.memory_space<vmem>>, vector<16xi32>,
        %gather3A_375 = tpu.vector_load_idx %arg5[%get3A_374] : memref<100000xf32, #tpu.memory_space<vmem>>[vector<16xi32>], vector<16xf32>,
        %get3A_376 = arith.constant 1 : i32
        %get3A_377 = arith.constant 22 : i32
        %get3A_378 = arith.index_cast %get3A_376 : i32 to index
        %get3A_379 = arith.index_cast %get3A_377 : i32 to index
        %get3A_380 = arith.index_cast %mul3A_223 : i32 to index
        %get3A_381 = tpu.vector_load %arg6[%get3A_378, %get3A_379, %get3A_380] {strides = array<i32>} : memref<2x32x256xi32, #tpu.memory_space<vmem>>, vector<16xi32>,
        %gather3A_382 = tpu.vector_load_idx %arg5[%get3A_381] : memref<100000xf32, #tpu.memory_space<vmem>>[vector<16xi32>], vector<16xf32>,
        %get3A_383 = arith.constant 1 : i32
        %get3A_384 = arith.constant 23 : i32
        %get3A_385 = arith.index_cast %get3A_383 : i32 to index
        %get3A_386 = arith.index_cast %get3A_384 : i32 to index
        %get3A_387 = arith.index_cast %mul3A_223 : i32 to index
        %get3A_388 = tpu.vector_load %arg6[%get3A_385, %get3A_386, %get3A_387] {strides = array<i32>} : memref<2x32x256xi32, #tpu.memory_space<vmem>>, vector<16xi32>,
        %gather3A_389 = tpu.vector_load_idx %arg5[%get3A_388] : memref<100000xf32, #tpu.memory_space<vmem>>[vector<16xi32>], vector<16xf32>,
        %get3A_390 = arith.constant 1 : i32
        %get3A_391 = arith.constant 24 : i32
        %get3A_392 = arith.index_cast %get3A_390 : i32 to index
        %get3A_393 = arith.index_cast %get3A_391 : i32 to index
        %get3A_394 = arith.index_cast %mul3A_223 : i32 to index
        %get3A_395 = tpu.vector_load %arg6[%get3A_392, %get3A_393, %get3A_394] {strides = array<i32>} : memref<2x32x256xi32, #tpu.memory_space<vmem>>, vector<16xi32>,
        %gather3A_396 = tpu.vector_load_idx %arg5[%get3A_395] : memref<100000xf32, #tpu.memory_space<vmem>>[vector<16xi32>], vector<16xf32>,
        %get3A_397 = arith.constant 1 : i32
        %get3A_398 = arith.constant 25 : i32
        %get3A_399 = arith.index_cast %get3A_397 : i32 to index
        %get3A_400 = arith.index_cast %get3A_398 : i32 to index
        %get3A_401 = arith.index_cast %mul3A_223 : i32 to index
        %get3A_402 = tpu.vector_load %arg6[%get3A_399, %get3A_400, %get3A_401] {strides = array<i32>} : memref<2x32x256xi32, #tpu.memory_space<vmem>>, vector<16xi32>,
        %gather3A_403 = tpu.vector_load_idx %arg5[%get3A_402] : memref<100000xf32, #tpu.memory_space<vmem>>[vector<16xi32>], vector<16xf32>,
        %add3A_404 = arith.addf %gather3A, %gather3A_235 : vector<16xf32>
        %add3A_405 = arith.addf %gather3A_242, %gather3A_249 : vector<16xf32>
        %add3A_406 = arith.addf %gather3A_256, %gather3A_263 : vector<16xf32>
        %add3A_407 = arith.addf %gather3A_270, %gather3A_277 : vector<16xf32>
        %add3A_408 = arith.addf %gather3A_284, %gather3A_291 : vector<16xf32>
        %add3A_409 = arith.addf %gather3A_298, %gather3A_305 : vector<16xf32>
        %add3A_410 = arith.addf %gather3A_312, %gather3A_319 : vector<16xf32>
        %add3A_411 = arith.addf %gather3A_326, %gather3A_333 : vector<16xf32>
        %add3A_412 = arith.addf %gather3A_340, %gather3A_347 : vector<16xf32>
        %add3A_413 = arith.addf %gather3A_354, %gather3A_361 : vector<16xf32>
        %add3A_414 = arith.addf %gather3A_368, %gather3A_375 : vector<16xf32>
        %add3A_415 = arith.addf %gather3A_382, %gather3A_389 : vector<16xf32>
        %add3A_416 = arith.addf %gather3A_396, %gather3A_403 : vector<16xf32>
        %add3A_417 = arith.addf %add3A_404, %add3A_405 : vector<16xf32>
        %add3A_418 = arith.addf %add3A_406, %add3A_407 : vector<16xf32>
        %add3A_419 = arith.addf %add3A_408, %add3A_409 : vector<16xf32>
        %add3A_420 = arith.addf %add3A_410, %add3A_411 : vector<16xf32>
        %add3A_421 = arith.addf %add3A_412, %add3A_413 : vector<16xf32>
        %add3A_422 = arith.addf %add3A_414, %add3A_415 : vector<16xf32>
        %add3A_423 = arith.addf %add3A_417, %add3A_418 : vector<16xf32>
        %add3A_424 = arith.addf %add3A_419, %add3A_420 : vector<16xf32>
        %add3A_425 = arith.addf %add3A_421, %add3A_422 : vector<16xf32>
        %add3A_426 = arith.addf %add3A_423, %add3A_424 : vector<16xf32>
        %add3A_427 = arith.addf %add3A_425, %add3A_416 : vector<16xf32>
        %add3A_428 = arith.addf %add3A_426, %add3A_427 : vector<16xf32>
        %swap3A = arith.constant 1 : i32
        %swap3A_429 = arith.index_cast %swap3A : i32 to index
        %swap3A_430 = arith.index_cast %mul3A_223 : i32 to index
        %swap3A_431 = tpu.vector_load %arg7[%swap3A_429, %swap3A_430] {strides = array<i32>} : memref<2x256xf32, #tpu.memory_space<vmem>>, vector<16xf32>,
        tpu.vector_store %arg7[%swap3A_429, %swap3A_430], %add3A_428 {strides = array<i32>} : memref<2x256xf32, #tpu.memory_space<vmem>>, vector<16xf32>,
      }
      %scan3A_207 = arith.constant 16 : i32
      %mul3A_208 = arith.constant 256 : i32
      %mul3A_209 = arith.muli %add3A_174, %mul3A_208 : i32
      %dma_start3A_210 = arith.constant 1 : i32
      %dma_start3A_211 = arith.constant 0 : i32
      %dma_start3A_212 = tpu.memref_slice %arg7[%dma_start3A_210, %dma_start3A_211] : memref<2x256xf32, #tpu.memory_space<vmem>> -> memref<1x256xf32, #tpu.memory_space<vmem>>
      %dma_start3A_213 = tpu.memref_squeeze %dma_start3A_212 : memref<1x256xf32, #tpu.memory_space<vmem>> -> memref<256xf32, #tpu.memory_space<vmem>>
      %dma_start3A_214 = tpu.memref_slice %arg4[%mul3A_2, %mul3A_209] : memref<64x4096xf32, #tpu.memory_space<hbm>> -> memref<1x256xf32, #tpu.memory_space<hbm>>
      %dma_start3A_215 = tpu.memref_squeeze %dma_start3A_214 : memref<1x256xf32, #tpu.memory_space<hbm>> -> memref<256xf32, #tpu.memory_space<hbm>>
      %dma_start3A_216 = tpu.memref_slice %arg4[%mul3A_2, %mul3A_209] : memref<64x4096xf32, #tpu.memory_space<hbm>> -> memref<1x256xf32, #tpu.memory_space<hbm>>
      %dma_start3A_217 = tpu.memref_squeeze %dma_start3A_216 : memref<1x256xf32, #tpu.memory_space<hbm>> -> memref<256xf32, #tpu.memory_space<hbm>>
      %dma_start3A_218 = arith.constant 0 : i32
      %dma_start3A_219 = tpu.memref_slice %arg7[%dma_start3A_210, %dma_start3A_218] : memref<2x256xf32, #tpu.memory_space<vmem>> -> memref<1x256xf32, #tpu.memory_space<vmem>>
      %dma_start3A_220 = tpu.memref_squeeze %dma_start3A_219 : memref<1x256xf32, #tpu.memory_space<vmem>> -> memref<256xf32, #tpu.memory_space<vmem>>
      tpu.enqueue_dma source(%dma_start3A_220 : memref<256xf32, #tpu.memory_space<vmem>>) target(%dma_start3A_217 : memref<256xf32, #tpu.memory_space<hbm>>) target_semaphore(%arg13 : memref<!tpu.dma_semaphore, #tpu.memory_space<semaphore_mem>>)
    }
    %scan3A_34 = arith.constant 8 : i32
    %dma_wait3A_35 = arith.constant 0 : i32
    %dma_wait3A_36 = arith.constant 0 : i32
    %dma_wait3A_37 = tpu.memref_slice %arg7[%dma_wait3A_35, %dma_wait3A_36] : memref<2x256xf32, #tpu.memory_space<vmem>> -> memref<1x256xf32, #tpu.memory_space<vmem>>
    %dma_wait3A_38 = tpu.memref_squeeze %dma_wait3A_37 : memref<1x256xf32, #tpu.memory_space<vmem>> -> memref<256xf32, #tpu.memory_space<vmem>>
    %dma_wait3A_39 = arith.constant 0 : i32
    %dma_wait3A_40 = tpu.memref_slice %arg4[%mul3A_2, %dma_wait3A_39] : memref<64x4096xf32, #tpu.memory_space<hbm>> -> memref<1x256xf32, #tpu.memory_space<hbm>>
    %dma_wait3A_41 = tpu.memref_squeeze %dma_wait3A_40 : memref<1x256xf32, #tpu.memory_space<hbm>> -> memref<256xf32, #tpu.memory_space<hbm>>
    %dma_wait3A_42 = arith.constant 0 : i32
    %dma_wait3A_43 = tpu.memref_slice %arg4[%mul3A_2, %dma_wait3A_42] : memref<64x4096xf32, #tpu.memory_space<hbm>> -> memref<1x256xf32, #tpu.memory_space<hbm>>
    %dma_wait3A_44 = tpu.memref_squeeze %dma_wait3A_43 : memref<1x256xf32, #tpu.memory_space<hbm>> -> memref<256xf32, #tpu.memory_space<hbm>>
    %dma_wait3A_45 = arith.constant 0 : i32
    %dma_wait3A_46 = tpu.memref_slice %arg7[%dma_wait3A_35, %dma_wait3A_45] : memref<2x256xf32, #tpu.memory_space<vmem>> -> memref<1x256xf32, #tpu.memory_space<vmem>>
    %dma_wait3A_47 = tpu.memref_squeeze %dma_wait3A_46 : memref<1x256xf32, #tpu.memory_space<vmem>> -> memref<256xf32, #tpu.memory_space<vmem>>
    tpu.wait_dma2 semaphore(%arg13 : memref<!tpu.dma_semaphore, #tpu.memory_space<semaphore_mem>>) src(%dma_wait3A_47 : memref<256xf32, #tpu.memory_space<vmem>>) dst(%dma_wait3A_44 : memref<256xf32, #tpu.memory_space<hbm>>)
    %dma_wait3A_48 = arith.constant 1 : i32
    %dma_wait3A_49 = arith.constant 0 : i32
    %dma_wait3A_50 = tpu.memref_slice %arg7[%dma_wait3A_48, %dma_wait3A_49] : memref<2x256xf32, #tpu.memory_space<vmem>> -> memref<1x256xf32, #tpu.memory_space<vmem>>
    %dma_wait3A_51 = tpu.memref_squeeze %dma_wait3A_50 : memref<1x256xf32, #tpu.memory_space<vmem>> -> memref<256xf32, #tpu.memory_space<vmem>>
    %dma_wait3A_52 = arith.constant 0 : i32
    %dma_wait3A_53 = tpu.memref_slice %arg4[%mul3A_2, %dma_wait3A_52] : memref<64x4096xf32, #tpu.memory_space<hbm>> -> memref<1x256xf32, #tpu.memory_space<hbm>>
    %dma_wait3A_54 = tpu.memref_squeeze %dma_wait3A_53 : memref<1x256xf32, #tpu.memory_space<hbm>> -> memref<256xf32, #tpu.memory_space<hbm>>
    %dma_wait3A_55 = arith.constant 0 : i32
    %dma_wait3A_56 = tpu.memref_slice %arg4[%mul3A_2, %dma_wait3A_55] : memref<64x4096xf32, #tpu.memory_space<hbm>> -> memref<1x256xf32, #tpu.memory_space<hbm>>
    %dma_wait3A_57 = tpu.memref_squeeze %dma_wait3A_56 : memref<1x256xf32, #tpu.memory_space<hbm>> -> memref<256xf32, #tpu.memory_space<hbm>>
    %dma_wait3A_58 = arith.constant 0 : i32
    %dma_wait3A_59 = tpu.memref_slice %arg7[%dma_wait3A_48, %dma_wait3A_58] : memref<2x256xf32, #tpu.memory_space<vmem>> -> memref<1x256xf32, #tpu.memory_space<vmem>>
    %dma_wait3A_60 = tpu.memref_squeeze %dma_wait3A_59 : memref<1x256xf32, #tpu.memory_space<vmem>> -> memref<256xf32, #tpu.memory_space<vmem>>
    tpu.wait_dma2 semaphore(%arg13 : memref<!tpu.dma_semaphore, #tpu.memory_space<semaphore_mem>>) src(%dma_wait3A_60 : memref<256xf32, #tpu.memory_space<vmem>>) dst(%dma_wait3A_57 : memref<256xf32, #tpu.memory_space<hbm>>)
    %add3A_61 = arith.constant 1 : i32
    %add3A_62 = arith.addi %mul3A_2, %add3A_61 : i32
    %dma_start3A_63 = arith.constant 0 : i32
    %dma_start3A_64 = tpu.memref_slice %arg3[%add3A_62, %dma_start3A_63] : memref<64x100000xf32, #tpu.memory_space<hbm>> -> memref<1x100000xf32, #tpu.memory_space<hbm>>
    %dma_start3A_65 = tpu.memref_squeeze %dma_start3A_64 : memref<1x100000xf32, #tpu.memory_space<hbm>> -> memref<100000xf32, #tpu.memory_space<hbm>>
    %dma_start3A_66 = arith.constant 0 : i32
    %dma_start3A_67 = tpu.memref_slice %arg3[%add3A_62, %dma_start3A_66] : memref<64x100000xf32, #tpu.memory_space<hbm>> -> memref<1x100000xf32, #tpu.memory_space<hbm>>
    %dma_start3A_68 = tpu.memref_squeeze %dma_start3A_67 : memref<1x100000xf32, #tpu.memory_space<hbm>> -> memref<100000xf32, #tpu.memory_space<hbm>>
    tpu.enqueue_dma source(%dma_start3A_68 : memref<100000xf32, #tpu.memory_space<hbm>>) target(%arg5 : memref<100000xf32, #tpu.memory_space<vmem>>) target_semaphore(%arg12 : memref<!tpu.dma_semaphore, #tpu.memory_space<semaphore_mem>>)
    %add3A_69 = arith.constant 1 : i32
    %add3A_70 = arith.addi %mul3A_2, %add3A_69 : i32
    %dma_wait3A_71 = arith.constant 0 : i32
    %dma_wait3A_72 = tpu.memref_slice %arg3[%add3A_70, %dma_wait3A_71] : memref<64x100000xf32, #tpu.memory_space<hbm>> -> memref<1x100000xf32, #tpu.memory_space<hbm>>
    %dma_wait3A_73 = tpu.memref_squeeze %dma_wait3A_72 : memref<1x100000xf32, #tpu.memory_space<hbm>> -> memref<100000xf32, #tpu.memory_space<hbm>>
    %dma_wait3A_74 = arith.constant 0 : i32
    %dma_wait3A_75 = tpu.memref_slice %arg3[%add3A_70, %dma_wait3A_74] : memref<64x100000xf32, #tpu.memory_space<hbm>> -> memref<1x100000xf32, #tpu.memory_space<hbm>>
    %dma_wait3A_76 = tpu.memref_squeeze %dma_wait3A_75 : memref<1x100000xf32, #tpu.memory_space<hbm>> -> memref<100000xf32, #tpu.memory_space<hbm>>
    tpu.wait_dma2 semaphore(%arg12 : memref<!tpu.dma_semaphore, #tpu.memory_space<semaphore_mem>>) src(%dma_wait3A_76 : memref<100000xf32, #tpu.memory_space<hbm>>) dst(%arg5 : memref<100000xf32, #tpu.memory_space<vmem>>)
    %add3A_77 = arith.constant 1 : i32
    %add3A_78 = arith.addi %mul3A_2, %add3A_77 : i32
    %dma_start3A_79 = arith.constant 0 : i32
    %dma_start3A_80 = arith.constant 0 : i32
    %dma_start3A_81 = arith.constant 0 : i32
    %dma_start3A_82 = tpu.memref_slice %arg6[%dma_start3A_79, %dma_start3A_80, %dma_start3A_81] : memref<2x32x256xi32, #tpu.memory_space<vmem>> -> memref<1x32x256xi32, #tpu.memory_space<vmem>>
    %dma_start3A_83 = tpu.memref_squeeze %dma_start3A_82 : memref<1x32x256xi32, #tpu.memory_space<vmem>> -> memref<32x256xi32, #tpu.memory_space<vmem>>
    %dma_start3A_84 = arith.constant 0 : i32
    %dma_start3A_85 = arith.constant 0 : i32
    %dma_start3A_86 = tpu.memref_slice %arg8[%dma_start3A_84, %dma_start3A_85] : memref<32x4096xi32, #tpu.memory_space<vmem_shared>> -> memref<32x256xi32, #tpu.memory_space<vmem_shared>>
    %dma_start3A_87 = arith.constant 0 : i32
    %dma_start3A_88 = arith.constant 0 : i32
    %dma_start3A_89 = tpu.memref_slice %arg6[%dma_start3A_79, %dma_start3A_87, %dma_start3A_88] : memref<2x32x256xi32, #tpu.memory_space<vmem>> -> memref<1x32x256xi32, #tpu.memory_space<vmem>>
    %dma_start3A_90 = tpu.memref_squeeze %dma_start3A_89 : memref<1x32x256xi32, #tpu.memory_space<vmem>> -> memref<32x256xi32, #tpu.memory_space<vmem>>
    %dma_start3A_91 = arith.constant 0 : i32
    %dma_start3A_92 = arith.constant 0 : i32
    %dma_start3A_93 = tpu.memref_slice %arg8[%dma_start3A_91, %dma_start3A_92] : memref<32x4096xi32, #tpu.memory_space<vmem_shared>> -> memref<32x256xi32, #tpu.memory_space<vmem_shared>>
    tpu.enqueue_dma source(%dma_start3A_93 : memref<32x256xi32, #tpu.memory_space<vmem_shared>>) target(%dma_start3A_90 : memref<32x256xi32, #tpu.memory_space<vmem>>) target_semaphore(%arg9 : memref<!tpu.dma_semaphore, #tpu.memory_space<semaphore_mem>>)
    %scan3A_94 = arith.constant 0 : i32
    %scan3A_95 = arith.constant 0 : i32
    %scan3A_96 = arith.constant 8 : i32
    %scan3A_97 = arith.addi %scan3A_95, %scan3A_96 : i32
    %scan3A_98 = arith.constant 1 : i32
    scf.for %scan3A_126 = %scan3A_95 to %scan3A_97 step %scan3A_98  : i32 {
      %mul3A_127 = arith.constant 2 : i32
      %mul3A_128 = arith.muli %scan3A_126, %mul3A_127 : i32
      %add3A_129 = arith.constant 0 : i32
      %add3A_130 = arith.addi %mul3A_128, %add3A_129 : i32
      %add3A_131 = arith.constant 1 : i32
      %add3A_132 = arith.addi %add3A_130, %add3A_131 : i32
      %lt3A = arith.constant 16 : i32
      %lt3A_133 = arith.cmpi slt, %add3A_132, %lt3A : i32
      %convert_element_type3A = arith.extui %lt3A_133 : i1 to i32
      %cond3A = arith.constant 0 : i32
      %cond3A_134 = arith.cmpi ne, %convert_element_type3A, %cond3A : i32
      scf.if %cond3A_134 {
        %add3A_221 = arith.constant 1 : i32
        %add3A_222 = arith.addi %add3A_130, %add3A_221 : i32
        %mul3A_223 = arith.constant 256 : i32
        %mul3A_224 = arith.muli %add3A_222, %mul3A_223 : i32
        %dma_start3A_225 = arith.constant 1 : i32
        %dma_start3A_226 = arith.constant 0 : i32
        %dma_start3A_227 = arith.constant 0 : i32
        %dma_start3A_228 = tpu.memref_slice %arg6[%dma_start3A_225, %dma_start3A_226, %dma_start3A_227] : memref<2x32x256xi32, #tpu.memory_space<vmem>> -> memref<1x32x256xi32, #tpu.memory_space<vmem>>
        %dma_start3A_229 = tpu.memref_squeeze %dma_start3A_228 : memref<1x32x256xi32, #tpu.memory_space<vmem>> -> memref<32x256xi32, #tpu.memory_space<vmem>>
        %dma_start3A_230 = arith.constant 0 : i32
        %dma_start3A_231 = tpu.memref_slice %arg8[%dma_start3A_230, %mul3A_224] : memref<32x4096xi32, #tpu.memory_space<vmem_shared>> -> memref<32x256xi32, #tpu.memory_space<vmem_shared>>
        %dma_start3A_232 = arith.constant 0 : i32
        %dma_start3A_233 = arith.constant 0 : i32
        %dma_start3A_234 = tpu.memref_slice %arg6[%dma_start3A_225, %dma_start3A_232, %dma_start3A_233] : memref<2x32x256xi32, #tpu.memory_space<vmem>> -> memref<1x32x256xi32, #tpu.memory_space<vmem>>
        %dma_start3A_235 = tpu.memref_squeeze %dma_start3A_234 : memref<1x32x256xi32, #tpu.memory_space<vmem>> -> memref<32x256xi32, #tpu.memory_space<vmem>>
        %dma_start3A_236 = arith.constant 0 : i32
        %dma_start3A_237 = tpu.memref_slice %arg8[%dma_start3A_236, %mul3A_224] : memref<32x4096xi32, #tpu.memory_space<vmem_shared>> -> memref<32x256xi32, #tpu.memory_space<vmem_shared>>
        tpu.enqueue_dma source(%dma_start3A_237 : memref<32x256xi32, #tpu.memory_space<vmem_shared>>) target(%dma_start3A_235 : memref<32x256xi32, #tpu.memory_space<vmem>>) target_semaphore(%arg10 : memref<!tpu.dma_semaphore, #tpu.memory_space<semaphore_mem>>)
      } else {
      }
      %dma_wait3A_135 = arith.constant 0 : i32
      %dma_wait3A_136 = arith.constant 0 : i32
      %dma_wait3A_137 = arith.constant 0 : i32
      %dma_wait3A_138 = tpu.memref_slice %arg6[%dma_wait3A_135, %dma_wait3A_136, %dma_wait3A_137] : memref<2x32x256xi32, #tpu.memory_space<vmem>> -> memref<1x32x256xi32, #tpu.memory_space<vmem>>
      %dma_wait3A_139 = tpu.memref_squeeze %dma_wait3A_138 : memref<1x32x256xi32, #tpu.memory_space<vmem>> -> memref<32x256xi32, #tpu.memory_space<vmem>>
      %dma_wait3A_140 = arith.constant 0 : i32
      %dma_wait3A_141 = arith.constant 0 : i32
      %dma_wait3A_142 = tpu.memref_slice %arg8[%dma_wait3A_140, %dma_wait3A_141] : memref<32x4096xi32, #tpu.memory_space<vmem_shared>> -> memref<32x256xi32, #tpu.memory_space<vmem_shared>>
      %dma_wait3A_143 = arith.constant 0 : i32
      %dma_wait3A_144 = arith.constant 0 : i32
      %dma_wait3A_145 = tpu.memref_slice %arg6[%dma_wait3A_135, %dma_wait3A_143, %dma_wait3A_144] : memref<2x32x256xi32, #tpu.memory_space<vmem>> -> memref<1x32x256xi32, #tpu.memory_space<vmem>>
      %dma_wait3A_146 = tpu.memref_squeeze %dma_wait3A_145 : memref<1x32x256xi32, #tpu.memory_space<vmem>> -> memref<32x256xi32, #tpu.memory_space<vmem>>
      %dma_wait3A_147 = arith.constant 0 : i32
      %dma_wait3A_148 = arith.constant 0 : i32
      %dma_wait3A_149 = tpu.memref_slice %arg8[%dma_wait3A_147, %dma_wait3A_148] : memref<32x4096xi32, #tpu.memory_space<vmem_shared>> -> memref<32x256xi32, #tpu.memory_space<vmem_shared>>
      tpu.wait_dma2 semaphore(%arg9 : memref<!tpu.dma_semaphore, #tpu.memory_space<semaphore_mem>>) src(%dma_wait3A_149 : memref<32x256xi32, #tpu.memory_space<vmem_shared>>) dst(%dma_wait3A_146 : memref<32x256xi32, #tpu.memory_space<vmem>>)
      %ge3A = arith.constant 2 : i32
      %ge3A_150 = arith.cmpi sge, %add3A_130, %ge3A : i32
      %convert_element_type3A_151 = arith.extui %ge3A_150 : i1 to i32
      %cond3A_152 = arith.constant 0 : i32
      %cond3A_153 = arith.cmpi ne, %convert_element_type3A_151, %cond3A_152 : i32
      scf.if %cond3A_153 {
        %dma_wait3A_221 = arith.constant 0 : i32
        %dma_wait3A_222 = arith.constant 0 : i32
        %dma_wait3A_223 = tpu.memref_slice %arg7[%dma_wait3A_221, %dma_wait3A_222] : memref<2x256xf32, #tpu.memory_space<vmem>> -> memref<1x256xf32, #tpu.memory_space<vmem>>
        %dma_wait3A_224 = tpu.memref_squeeze %dma_wait3A_223 : memref<1x256xf32, #tpu.memory_space<vmem>> -> memref<256xf32, #tpu.memory_space<vmem>>
        %dma_wait3A_225 = arith.constant 0 : i32
        %dma_wait3A_226 = tpu.memref_slice %arg4[%add3A_78, %dma_wait3A_225] : memref<64x4096xf32, #tpu.memory_space<hbm>> -> memref<1x256xf32, #tpu.memory_space<hbm>>
        %dma_wait3A_227 = tpu.memref_squeeze %dma_wait3A_226 : memref<1x256xf32, #tpu.memory_space<hbm>> -> memref<256xf32, #tpu.memory_space<hbm>>
        %dma_wait3A_228 = arith.constant 0 : i32
        %dma_wait3A_229 = tpu.memref_slice %arg4[%add3A_78, %dma_wait3A_228] : memref<64x4096xf32, #tpu.memory_space<hbm>> -> memref<1x256xf32, #tpu.memory_space<hbm>>
        %dma_wait3A_230 = tpu.memref_squeeze %dma_wait3A_229 : memref<1x256xf32, #tpu.memory_space<hbm>> -> memref<256xf32, #tpu.memory_space<hbm>>
        %dma_wait3A_231 = arith.constant 0 : i32
        %dma_wait3A_232 = tpu.memref_slice %arg7[%dma_wait3A_221, %dma_wait3A_231] : memref<2x256xf32, #tpu.memory_space<vmem>> -> memref<1x256xf32, #tpu.memory_space<vmem>>
        %dma_wait3A_233 = tpu.memref_squeeze %dma_wait3A_232 : memref<1x256xf32, #tpu.memory_space<vmem>> -> memref<256xf32, #tpu.memory_space<vmem>>
        tpu.wait_dma2 semaphore(%arg13 : memref<!tpu.dma_semaphore, #tpu.memory_space<semaphore_mem>>) src(%dma_wait3A_233 : memref<256xf32, #tpu.memory_space<vmem>>) dst(%dma_wait3A_230 : memref<256xf32, #tpu.memory_space<hbm>>)
      } else {
      }
      %scan3A_154 = arith.constant 0 : i32
      %scan3A_155 = arith.constant 0 : i32
      %scan3A_156 = arith.constant 16 : i32
      %scan3A_157 = arith.addi %scan3A_155, %scan3A_156 : i32
      %scan3A_158 = arith.constant 1 : i32
      scf.for %scan3A_221 = %scan3A_155 to %scan3A_157 step %scan3A_158  : i32 {
        %mul3A_222 = arith.constant 16 : i32
        %mul3A_223 = arith.muli %scan3A_221, %mul3A_222 : i32
        %get3A = arith.constant 0 : i32
        %get3A_224 = arith.constant 0 : i32
        %get3A_225 = arith.index_cast %get3A : i32 to index
        %get3A_226 = arith.index_cast %get3A_224 : i32 to index
        %get3A_227 = arith.index_cast %mul3A_223 : i32 to index
        %get3A_228 = tpu.vector_load %arg6[%get3A_225, %get3A_226, %get3A_227] {strides = array<i32>} : memref<2x32x256xi32, #tpu.memory_space<vmem>>, vector<16xi32>,
        %gather3A = tpu.vector_load_idx %arg5[%get3A_228] : memref<100000xf32, #tpu.memory_space<vmem>>[vector<16xi32>], vector<16xf32>,
        %get3A_229 = arith.constant 0 : i32
        %get3A_230 = arith.constant 1 : i32
        %get3A_231 = arith.index_cast %get3A_229 : i32 to index
        %get3A_232 = arith.index_cast %get3A_230 : i32 to index
        %get3A_233 = arith.index_cast %mul3A_223 : i32 to index
        %get3A_234 = tpu.vector_load %arg6[%get3A_231, %get3A_232, %get3A_233] {strides = array<i32>} : memref<2x32x256xi32, #tpu.memory_space<vmem>>, vector<16xi32>,
        %gather3A_235 = tpu.vector_load_idx %arg5[%get3A_234] : memref<100000xf32, #tpu.memory_space<vmem>>[vector<16xi32>], vector<16xf32>,
        %get3A_236 = arith.constant 0 : i32
        %get3A_237 = arith.constant 2 : i32
        %get3A_238 = arith.index_cast %get3A_236 : i32 to index
        %get3A_239 = arith.index_cast %get3A_237 : i32 to index
        %get3A_240 = arith.index_cast %mul3A_223 : i32 to index
        %get3A_241 = tpu.vector_load %arg6[%get3A_238, %get3A_239, %get3A_240] {strides = array<i32>} : memref<2x32x256xi32, #tpu.memory_space<vmem>>, vector<16xi32>,
        %gather3A_242 = tpu.vector_load_idx %arg5[%get3A_241] : memref<100000xf32, #tpu.memory_space<vmem>>[vector<16xi32>], vector<16xf32>,
        %get3A_243 = arith.constant 0 : i32
        %get3A_244 = arith.constant 3 : i32
        %get3A_245 = arith.index_cast %get3A_243 : i32 to index
        %get3A_246 = arith.index_cast %get3A_244 : i32 to index
        %get3A_247 = arith.index_cast %mul3A_223 : i32 to index
        %get3A_248 = tpu.vector_load %arg6[%get3A_245, %get3A_246, %get3A_247] {strides = array<i32>} : memref<2x32x256xi32, #tpu.memory_space<vmem>>, vector<16xi32>,
        %gather3A_249 = tpu.vector_load_idx %arg5[%get3A_248] : memref<100000xf32, #tpu.memory_space<vmem>>[vector<16xi32>], vector<16xf32>,
        %get3A_250 = arith.constant 0 : i32
        %get3A_251 = arith.constant 4 : i32
        %get3A_252 = arith.index_cast %get3A_250 : i32 to index
        %get3A_253 = arith.index_cast %get3A_251 : i32 to index
        %get3A_254 = arith.index_cast %mul3A_223 : i32 to index
        %get3A_255 = tpu.vector_load %arg6[%get3A_252, %get3A_253, %get3A_254] {strides = array<i32>} : memref<2x32x256xi32, #tpu.memory_space<vmem>>, vector<16xi32>,
        %gather3A_256 = tpu.vector_load_idx %arg5[%get3A_255] : memref<100000xf32, #tpu.memory_space<vmem>>[vector<16xi32>], vector<16xf32>,
        %get3A_257 = arith.constant 0 : i32
        %get3A_258 = arith.constant 5 : i32
        %get3A_259 = arith.index_cast %get3A_257 : i32 to index
        %get3A_260 = arith.index_cast %get3A_258 : i32 to index
        %get3A_261 = arith.index_cast %mul3A_223 : i32 to index
        %get3A_262 = tpu.vector_load %arg6[%get3A_259, %get3A_260, %get3A_261] {strides = array<i32>} : memref<2x32x256xi32, #tpu.memory_space<vmem>>, vector<16xi32>,
        %gather3A_263 = tpu.vector_load_idx %arg5[%get3A_262] : memref<100000xf32, #tpu.memory_space<vmem>>[vector<16xi32>], vector<16xf32>,
        %get3A_264 = arith.constant 0 : i32
        %get3A_265 = arith.constant 6 : i32
        %get3A_266 = arith.index_cast %get3A_264 : i32 to index
        %get3A_267 = arith.index_cast %get3A_265 : i32 to index
        %get3A_268 = arith.index_cast %mul3A_223 : i32 to index
        %get3A_269 = tpu.vector_load %arg6[%get3A_266, %get3A_267, %get3A_268] {strides = array<i32>} : memref<2x32x256xi32, #tpu.memory_space<vmem>>, vector<16xi32>,
        %gather3A_270 = tpu.vector_load_idx %arg5[%get3A_269] : memref<100000xf32, #tpu.memory_space<vmem>>[vector<16xi32>], vector<16xf32>,
        %get3A_271 = arith.constant 0 : i32
        %get3A_272 = arith.constant 7 : i32
        %get3A_273 = arith.index_cast %get3A_271 : i32 to index
        %get3A_274 = arith.index_cast %get3A_272 : i32 to index
        %get3A_275 = arith.index_cast %mul3A_223 : i32 to index
        %get3A_276 = tpu.vector_load %arg6[%get3A_273, %get3A_274, %get3A_275] {strides = array<i32>} : memref<2x32x256xi32, #tpu.memory_space<vmem>>, vector<16xi32>,
        %gather3A_277 = tpu.vector_load_idx %arg5[%get3A_276] : memref<100000xf32, #tpu.memory_space<vmem>>[vector<16xi32>], vector<16xf32>,
        %get3A_278 = arith.constant 0 : i32
        %get3A_279 = arith.constant 8 : i32
        %get3A_280 = arith.index_cast %get3A_278 : i32 to index
        %get3A_281 = arith.index_cast %get3A_279 : i32 to index
        %get3A_282 = arith.index_cast %mul3A_223 : i32 to index
        %get3A_283 = tpu.vector_load %arg6[%get3A_280, %get3A_281, %get3A_282] {strides = array<i32>} : memref<2x32x256xi32, #tpu.memory_space<vmem>>, vector<16xi32>,
        %gather3A_284 = tpu.vector_load_idx %arg5[%get3A_283] : memref<100000xf32, #tpu.memory_space<vmem>>[vector<16xi32>], vector<16xf32>,
        %get3A_285 = arith.constant 0 : i32
        %get3A_286 = arith.constant 9 : i32
        %get3A_287 = arith.index_cast %get3A_285 : i32 to index
        %get3A_288 = arith.index_cast %get3A_286 : i32 to index
        %get3A_289 = arith.index_cast %mul3A_223 : i32 to index
        %get3A_290 = tpu.vector_load %arg6[%get3A_287, %get3A_288, %get3A_289] {strides = array<i32>} : memref<2x32x256xi32, #tpu.memory_space<vmem>>, vector<16xi32>,
        %gather3A_291 = tpu.vector_load_idx %arg5[%get3A_290] : memref<100000xf32, #tpu.memory_space<vmem>>[vector<16xi32>], vector<16xf32>,
        %get3A_292 = arith.constant 0 : i32
        %get3A_293 = arith.constant 10 : i32
        %get3A_294 = arith.index_cast %get3A_292 : i32 to index
        %get3A_295 = arith.index_cast %get3A_293 : i32 to index
        %get3A_296 = arith.index_cast %mul3A_223 : i32 to index
        %get3A_297 = tpu.vector_load %arg6[%get3A_294, %get3A_295, %get3A_296] {strides = array<i32>} : memref<2x32x256xi32, #tpu.memory_space<vmem>>, vector<16xi32>,
        %gather3A_298 = tpu.vector_load_idx %arg5[%get3A_297] : memref<100000xf32, #tpu.memory_space<vmem>>[vector<16xi32>], vector<16xf32>,
        %get3A_299 = arith.constant 0 : i32
        %get3A_300 = arith.constant 11 : i32
        %get3A_301 = arith.index_cast %get3A_299 : i32 to index
        %get3A_302 = arith.index_cast %get3A_300 : i32 to index
        %get3A_303 = arith.index_cast %mul3A_223 : i32 to index
        %get3A_304 = tpu.vector_load %arg6[%get3A_301, %get3A_302, %get3A_303] {strides = array<i32>} : memref<2x32x256xi32, #tpu.memory_space<vmem>>, vector<16xi32>,
        %gather3A_305 = tpu.vector_load_idx %arg5[%get3A_304] : memref<100000xf32, #tpu.memory_space<vmem>>[vector<16xi32>], vector<16xf32>,
        %get3A_306 = arith.constant 0 : i32
        %get3A_307 = arith.constant 12 : i32
        %get3A_308 = arith.index_cast %get3A_306 : i32 to index
        %get3A_309 = arith.index_cast %get3A_307 : i32 to index
        %get3A_310 = arith.index_cast %mul3A_223 : i32 to index
        %get3A_311 = tpu.vector_load %arg6[%get3A_308, %get3A_309, %get3A_310] {strides = array<i32>} : memref<2x32x256xi32, #tpu.memory_space<vmem>>, vector<16xi32>,
        %gather3A_312 = tpu.vector_load_idx %arg5[%get3A_311] : memref<100000xf32, #tpu.memory_space<vmem>>[vector<16xi32>], vector<16xf32>,
        %get3A_313 = arith.constant 0 : i32
        %get3A_314 = arith.constant 13 : i32
        %get3A_315 = arith.index_cast %get3A_313 : i32 to index
        %get3A_316 = arith.index_cast %get3A_314 : i32 to index
        %get3A_317 = arith.index_cast %mul3A_223 : i32 to index
        %get3A_318 = tpu.vector_load %arg6[%get3A_315, %get3A_316, %get3A_317] {strides = array<i32>} : memref<2x32x256xi32, #tpu.memory_space<vmem>>, vector<16xi32>,
        %gather3A_319 = tpu.vector_load_idx %arg5[%get3A_318] : memref<100000xf32, #tpu.memory_space<vmem>>[vector<16xi32>], vector<16xf32>,
        %get3A_320 = arith.constant 0 : i32
        %get3A_321 = arith.constant 14 : i32
        %get3A_322 = arith.index_cast %get3A_320 : i32 to index
        %get3A_323 = arith.index_cast %get3A_321 : i32 to index
        %get3A_324 = arith.index_cast %mul3A_223 : i32 to index
        %get3A_325 = tpu.vector_load %arg6[%get3A_322, %get3A_323, %get3A_324] {strides = array<i32>} : memref<2x32x256xi32, #tpu.memory_space<vmem>>, vector<16xi32>,
        %gather3A_326 = tpu.vector_load_idx %arg5[%get3A_325] : memref<100000xf32, #tpu.memory_space<vmem>>[vector<16xi32>], vector<16xf32>,
        %get3A_327 = arith.constant 0 : i32
        %get3A_328 = arith.constant 15 : i32
        %get3A_329 = arith.index_cast %get3A_327 : i32 to index
        %get3A_330 = arith.index_cast %get3A_328 : i32 to index
        %get3A_331 = arith.index_cast %mul3A_223 : i32 to index
        %get3A_332 = tpu.vector_load %arg6[%get3A_329, %get3A_330, %get3A_331] {strides = array<i32>} : memref<2x32x256xi32, #tpu.memory_space<vmem>>, vector<16xi32>,
        %gather3A_333 = tpu.vector_load_idx %arg5[%get3A_332] : memref<100000xf32, #tpu.memory_space<vmem>>[vector<16xi32>], vector<16xf32>,
        %get3A_334 = arith.constant 0 : i32
        %get3A_335 = arith.constant 16 : i32
        %get3A_336 = arith.index_cast %get3A_334 : i32 to index
        %get3A_337 = arith.index_cast %get3A_335 : i32 to index
        %get3A_338 = arith.index_cast %mul3A_223 : i32 to index
        %get3A_339 = tpu.vector_load %arg6[%get3A_336, %get3A_337, %get3A_338] {strides = array<i32>} : memref<2x32x256xi32, #tpu.memory_space<vmem>>, vector<16xi32>,
        %gather3A_340 = tpu.vector_load_idx %arg5[%get3A_339] : memref<100000xf32, #tpu.memory_space<vmem>>[vector<16xi32>], vector<16xf32>,
        %get3A_341 = arith.constant 0 : i32
        %get3A_342 = arith.constant 17 : i32
        %get3A_343 = arith.index_cast %get3A_341 : i32 to index
        %get3A_344 = arith.index_cast %get3A_342 : i32 to index
        %get3A_345 = arith.index_cast %mul3A_223 : i32 to index
        %get3A_346 = tpu.vector_load %arg6[%get3A_343, %get3A_344, %get3A_345] {strides = array<i32>} : memref<2x32x256xi32, #tpu.memory_space<vmem>>, vector<16xi32>,
        %gather3A_347 = tpu.vector_load_idx %arg5[%get3A_346] : memref<100000xf32, #tpu.memory_space<vmem>>[vector<16xi32>], vector<16xf32>,
        %get3A_348 = arith.constant 0 : i32
        %get3A_349 = arith.constant 18 : i32
        %get3A_350 = arith.index_cast %get3A_348 : i32 to index
        %get3A_351 = arith.index_cast %get3A_349 : i32 to index
        %get3A_352 = arith.index_cast %mul3A_223 : i32 to index
        %get3A_353 = tpu.vector_load %arg6[%get3A_350, %get3A_351, %get3A_352] {strides = array<i32>} : memref<2x32x256xi32, #tpu.memory_space<vmem>>, vector<16xi32>,
        %gather3A_354 = tpu.vector_load_idx %arg5[%get3A_353] : memref<100000xf32, #tpu.memory_space<vmem>>[vector<16xi32>], vector<16xf32>,
        %get3A_355 = arith.constant 0 : i32
        %get3A_356 = arith.constant 19 : i32
        %get3A_357 = arith.index_cast %get3A_355 : i32 to index
        %get3A_358 = arith.index_cast %get3A_356 : i32 to index
        %get3A_359 = arith.index_cast %mul3A_223 : i32 to index
        %get3A_360 = tpu.vector_load %arg6[%get3A_357, %get3A_358, %get3A_359] {strides = array<i32>} : memref<2x32x256xi32, #tpu.memory_space<vmem>>, vector<16xi32>,
        %gather3A_361 = tpu.vector_load_idx %arg5[%get3A_360] : memref<100000xf32, #tpu.memory_space<vmem>>[vector<16xi32>], vector<16xf32>,
        %get3A_362 = arith.constant 0 : i32
        %get3A_363 = arith.constant 20 : i32
        %get3A_364 = arith.index_cast %get3A_362 : i32 to index
        %get3A_365 = arith.index_cast %get3A_363 : i32 to index
        %get3A_366 = arith.index_cast %mul3A_223 : i32 to index
        %get3A_367 = tpu.vector_load %arg6[%get3A_364, %get3A_365, %get3A_366] {strides = array<i32>} : memref<2x32x256xi32, #tpu.memory_space<vmem>>, vector<16xi32>,
        %gather3A_368 = tpu.vector_load_idx %arg5[%get3A_367] : memref<100000xf32, #tpu.memory_space<vmem>>[vector<16xi32>], vector<16xf32>,
        %get3A_369 = arith.constant 0 : i32
        %get3A_370 = arith.constant 21 : i32
        %get3A_371 = arith.index_cast %get3A_369 : i32 to index
        %get3A_372 = arith.index_cast %get3A_370 : i32 to index
        %get3A_373 = arith.index_cast %mul3A_223 : i32 to index
        %get3A_374 = tpu.vector_load %arg6[%get3A_371, %get3A_372, %get3A_373] {strides = array<i32>} : memref<2x32x256xi32, #tpu.memory_space<vmem>>, vector<16xi32>,
        %gather3A_375 = tpu.vector_load_idx %arg5[%get3A_374] : memref<100000xf32, #tpu.memory_space<vmem>>[vector<16xi32>], vector<16xf32>,
        %get3A_376 = arith.constant 0 : i32
        %get3A_377 = arith.constant 22 : i32
        %get3A_378 = arith.index_cast %get3A_376 : i32 to index
        %get3A_379 = arith.index_cast %get3A_377 : i32 to index
        %get3A_380 = arith.index_cast %mul3A_223 : i32 to index
        %get3A_381 = tpu.vector_load %arg6[%get3A_378, %get3A_379, %get3A_380] {strides = array<i32>} : memref<2x32x256xi32, #tpu.memory_space<vmem>>, vector<16xi32>,
        %gather3A_382 = tpu.vector_load_idx %arg5[%get3A_381] : memref<100000xf32, #tpu.memory_space<vmem>>[vector<16xi32>], vector<16xf32>,
        %get3A_383 = arith.constant 0 : i32
        %get3A_384 = arith.constant 23 : i32
        %get3A_385 = arith.index_cast %get3A_383 : i32 to index
        %get3A_386 = arith.index_cast %get3A_384 : i32 to index
        %get3A_387 = arith.index_cast %mul3A_223 : i32 to index
        %get3A_388 = tpu.vector_load %arg6[%get3A_385, %get3A_386, %get3A_387] {strides = array<i32>} : memref<2x32x256xi32, #tpu.memory_space<vmem>>, vector<16xi32>,
        %gather3A_389 = tpu.vector_load_idx %arg5[%get3A_388] : memref<100000xf32, #tpu.memory_space<vmem>>[vector<16xi32>], vector<16xf32>,
        %get3A_390 = arith.constant 0 : i32
        %get3A_391 = arith.constant 24 : i32
        %get3A_392 = arith.index_cast %get3A_390 : i32 to index
        %get3A_393 = arith.index_cast %get3A_391 : i32 to index
        %get3A_394 = arith.index_cast %mul3A_223 : i32 to index
        %get3A_395 = tpu.vector_load %arg6[%get3A_392, %get3A_393, %get3A_394] {strides = array<i32>} : memref<2x32x256xi32, #tpu.memory_space<vmem>>, vector<16xi32>,
        %gather3A_396 = tpu.vector_load_idx %arg5[%get3A_395] : memref<100000xf32, #tpu.memory_space<vmem>>[vector<16xi32>], vector<16xf32>,
        %get3A_397 = arith.constant 0 : i32
        %get3A_398 = arith.constant 25 : i32
        %get3A_399 = arith.index_cast %get3A_397 : i32 to index
        %get3A_400 = arith.index_cast %get3A_398 : i32 to index
        %get3A_401 = arith.index_cast %mul3A_223 : i32 to index
        %get3A_402 = tpu.vector_load %arg6[%get3A_399, %get3A_400, %get3A_401] {strides = array<i32>} : memref<2x32x256xi32, #tpu.memory_space<vmem>>, vector<16xi32>,
        %gather3A_403 = tpu.vector_load_idx %arg5[%get3A_402] : memref<100000xf32, #tpu.memory_space<vmem>>[vector<16xi32>], vector<16xf32>,
        %add3A_404 = arith.addf %gather3A, %gather3A_235 : vector<16xf32>
        %add3A_405 = arith.addf %gather3A_242, %gather3A_249 : vector<16xf32>
        %add3A_406 = arith.addf %gather3A_256, %gather3A_263 : vector<16xf32>
        %add3A_407 = arith.addf %gather3A_270, %gather3A_277 : vector<16xf32>
        %add3A_408 = arith.addf %gather3A_284, %gather3A_291 : vector<16xf32>
        %add3A_409 = arith.addf %gather3A_298, %gather3A_305 : vector<16xf32>
        %add3A_410 = arith.addf %gather3A_312, %gather3A_319 : vector<16xf32>
        %add3A_411 = arith.addf %gather3A_326, %gather3A_333 : vector<16xf32>
        %add3A_412 = arith.addf %gather3A_340, %gather3A_347 : vector<16xf32>
        %add3A_413 = arith.addf %gather3A_354, %gather3A_361 : vector<16xf32>
        %add3A_414 = arith.addf %gather3A_368, %gather3A_375 : vector<16xf32>
        %add3A_415 = arith.addf %gather3A_382, %gather3A_389 : vector<16xf32>
        %add3A_416 = arith.addf %gather3A_396, %gather3A_403 : vector<16xf32>
        %add3A_417 = arith.addf %add3A_404, %add3A_405 : vector<16xf32>
        %add3A_418 = arith.addf %add3A_406, %add3A_407 : vector<16xf32>
        %add3A_419 = arith.addf %add3A_408, %add3A_409 : vector<16xf32>
        %add3A_420 = arith.addf %add3A_410, %add3A_411 : vector<16xf32>
        %add3A_421 = arith.addf %add3A_412, %add3A_413 : vector<16xf32>
        %add3A_422 = arith.addf %add3A_414, %add3A_415 : vector<16xf32>
        %add3A_423 = arith.addf %add3A_417, %add3A_418 : vector<16xf32>
        %add3A_424 = arith.addf %add3A_419, %add3A_420 : vector<16xf32>
        %add3A_425 = arith.addf %add3A_421, %add3A_422 : vector<16xf32>
        %add3A_426 = arith.addf %add3A_423, %add3A_424 : vector<16xf32>
        %add3A_427 = arith.addf %add3A_425, %add3A_416 : vector<16xf32>
        %add3A_428 = arith.addf %add3A_426, %add3A_427 : vector<16xf32>
        %swap3A = arith.constant 0 : i32
        %swap3A_429 = arith.index_cast %swap3A : i32 to index
        %swap3A_430 = arith.index_cast %mul3A_223 : i32 to index
        %swap3A_431 = tpu.vector_load %arg7[%swap3A_429, %swap3A_430] {strides = array<i32>} : memref<2x256xf32, #tpu.memory_space<vmem>>, vector<16xf32>,
        tpu.vector_store %arg7[%swap3A_429, %swap3A_430], %add3A_428 {strides = array<i32>} : memref<2x256xf32, #tpu.memory_space<vmem>>, vector<16xf32>,
      }
      %scan3A_159 = arith.constant 16 : i32
      %mul3A_160 = arith.constant 256 : i32
      %mul3A_161 = arith.muli %add3A_130, %mul3A_160 : i32
      %dma_start3A_162 = arith.constant 0 : i32
      %dma_start3A_163 = arith.constant 0 : i32
      %dma_start3A_164 = tpu.memref_slice %arg7[%dma_start3A_162, %dma_start3A_163] : memref<2x256xf32, #tpu.memory_space<vmem>> -> memref<1x256xf32, #tpu.memory_space<vmem>>
      %dma_start3A_165 = tpu.memref_squeeze %dma_start3A_164 : memref<1x256xf32, #tpu.memory_space<vmem>> -> memref<256xf32, #tpu.memory_space<vmem>>
      %dma_start3A_166 = tpu.memref_slice %arg4[%add3A_78, %mul3A_161] : memref<64x4096xf32, #tpu.memory_space<hbm>> -> memref<1x256xf32, #tpu.memory_space<hbm>>
      %dma_start3A_167 = tpu.memref_squeeze %dma_start3A_166 : memref<1x256xf32, #tpu.memory_space<hbm>> -> memref<256xf32, #tpu.memory_space<hbm>>
      %dma_start3A_168 = tpu.memref_slice %arg4[%add3A_78, %mul3A_161] : memref<64x4096xf32, #tpu.memory_space<hbm>> -> memref<1x256xf32, #tpu.memory_space<hbm>>
      %dma_start3A_169 = tpu.memref_squeeze %dma_start3A_168 : memref<1x256xf32, #tpu.memory_space<hbm>> -> memref<256xf32, #tpu.memory_space<hbm>>
      %dma_start3A_170 = arith.constant 0 : i32
      %dma_start3A_171 = tpu.memref_slice %arg7[%dma_start3A_162, %dma_start3A_170] : memref<2x256xf32, #tpu.memory_space<vmem>> -> memref<1x256xf32, #tpu.memory_space<vmem>>
      %dma_start3A_172 = tpu.memref_squeeze %dma_start3A_171 : memref<1x256xf32, #tpu.memory_space<vmem>> -> memref<256xf32, #tpu.memory_space<vmem>>
      tpu.enqueue_dma source(%dma_start3A_172 : memref<256xf32, #tpu.memory_space<vmem>>) target(%dma_start3A_169 : memref<256xf32, #tpu.memory_space<hbm>>) target_semaphore(%arg13 : memref<!tpu.dma_semaphore, #tpu.memory_space<semaphore_mem>>)
      %add3A_173 = arith.constant 1 : i32
      %add3A_174 = arith.addi %mul3A_128, %add3A_173 : i32
      %add3A_175 = arith.constant 1 : i32
      %add3A_176 = arith.addi %add3A_174, %add3A_175 : i32
      %lt3A_177 = arith.constant 16 : i32
      %lt3A_178 = arith.cmpi slt, %add3A_176, %lt3A_177 : i32
      %convert_element_type3A_179 = arith.extui %lt3A_178 : i1 to i32
      %cond3A_180 = arith.constant 0 : i32
      %cond3A_181 = arith.cmpi ne, %convert_element_type3A_179, %cond3A_180 : i32
      scf.if %cond3A_181 {
        %add3A_221 = arith.constant 1 : i32
        %add3A_222 = arith.addi %add3A_174, %add3A_221 : i32
        %mul3A_223 = arith.constant 256 : i32
        %mul3A_224 = arith.muli %add3A_222, %mul3A_223 : i32
        %dma_start3A_225 = arith.constant 0 : i32
        %dma_start3A_226 = arith.constant 0 : i32
        %dma_start3A_227 = arith.constant 0 : i32
        %dma_start3A_228 = tpu.memref_slice %arg6[%dma_start3A_225, %dma_start3A_226, %dma_start3A_227] : memref<2x32x256xi32, #tpu.memory_space<vmem>> -> memref<1x32x256xi32, #tpu.memory_space<vmem>>
        %dma_start3A_229 = tpu.memref_squeeze %dma_start3A_228 : memref<1x32x256xi32, #tpu.memory_space<vmem>> -> memref<32x256xi32, #tpu.memory_space<vmem>>
        %dma_start3A_230 = arith.constant 0 : i32
        %dma_start3A_231 = tpu.memref_slice %arg8[%dma_start3A_230, %mul3A_224] : memref<32x4096xi32, #tpu.memory_space<vmem_shared>> -> memref<32x256xi32, #tpu.memory_space<vmem_shared>>
        %dma_start3A_232 = arith.constant 0 : i32
        %dma_start3A_233 = arith.constant 0 : i32
        %dma_start3A_234 = tpu.memref_slice %arg6[%dma_start3A_225, %dma_start3A_232, %dma_start3A_233] : memref<2x32x256xi32, #tpu.memory_space<vmem>> -> memref<1x32x256xi32, #tpu.memory_space<vmem>>
        %dma_start3A_235 = tpu.memref_squeeze %dma_start3A_234 : memref<1x32x256xi32, #tpu.memory_space<vmem>> -> memref<32x256xi32, #tpu.memory_space<vmem>>
        %dma_start3A_236 = arith.constant 0 : i32
        %dma_start3A_237 = tpu.memref_slice %arg8[%dma_start3A_236, %mul3A_224] : memref<32x4096xi32, #tpu.memory_space<vmem_shared>> -> memref<32x256xi32, #tpu.memory_space<vmem_shared>>
        tpu.enqueue_dma source(%dma_start3A_237 : memref<32x256xi32, #tpu.memory_space<vmem_shared>>) target(%dma_start3A_235 : memref<32x256xi32, #tpu.memory_space<vmem>>) target_semaphore(%arg9 : memref<!tpu.dma_semaphore, #tpu.memory_space<semaphore_mem>>)
      } else {
      }
      %dma_wait3A_182 = arith.constant 1 : i32
      %dma_wait3A_183 = arith.constant 0 : i32
      %dma_wait3A_184 = arith.constant 0 : i32
      %dma_wait3A_185 = tpu.memref_slice %arg6[%dma_wait3A_182, %dma_wait3A_183, %dma_wait3A_184] : memref<2x32x256xi32, #tpu.memory_space<vmem>> -> memref<1x32x256xi32, #tpu.memory_space<vmem>>
      %dma_wait3A_186 = tpu.memref_squeeze %dma_wait3A_185 : memref<1x32x256xi32, #tpu.memory_space<vmem>> -> memref<32x256xi32, #tpu.memory_space<vmem>>
      %dma_wait3A_187 = arith.constant 0 : i32
      %dma_wait3A_188 = arith.constant 0 : i32
      %dma_wait3A_189 = tpu.memref_slice %arg8[%dma_wait3A_187, %dma_wait3A_188] : memref<32x4096xi32, #tpu.memory_space<vmem_shared>> -> memref<32x256xi32, #tpu.memory_space<vmem_shared>>
      %dma_wait3A_190 = arith.constant 0 : i32
      %dma_wait3A_191 = arith.constant 0 : i32
      %dma_wait3A_192 = tpu.memref_slice %arg6[%dma_wait3A_182, %dma_wait3A_190, %dma_wait3A_191] : memref<2x32x256xi32, #tpu.memory_space<vmem>> -> memref<1x32x256xi32, #tpu.memory_space<vmem>>
      %dma_wait3A_193 = tpu.memref_squeeze %dma_wait3A_192 : memref<1x32x256xi32, #tpu.memory_space<vmem>> -> memref<32x256xi32, #tpu.memory_space<vmem>>
      %dma_wait3A_194 = arith.constant 0 : i32
      %dma_wait3A_195 = arith.constant 0 : i32
      %dma_wait3A_196 = tpu.memref_slice %arg8[%dma_wait3A_194, %dma_wait3A_195] : memref<32x4096xi32, #tpu.memory_space<vmem_shared>> -> memref<32x256xi32, #tpu.memory_space<vmem_shared>>
      tpu.wait_dma2 semaphore(%arg10 : memref<!tpu.dma_semaphore, #tpu.memory_space<semaphore_mem>>) src(%dma_wait3A_196 : memref<32x256xi32, #tpu.memory_space<vmem_shared>>) dst(%dma_wait3A_193 : memref<32x256xi32, #tpu.memory_space<vmem>>)
      %ge3A_197 = arith.constant 2 : i32
      %ge3A_198 = arith.cmpi sge, %add3A_174, %ge3A_197 : i32
      %convert_element_type3A_199 = arith.extui %ge3A_198 : i1 to i32
      %cond3A_200 = arith.constant 0 : i32
      %cond3A_201 = arith.cmpi ne, %convert_element_type3A_199, %cond3A_200 : i32
      scf.if %cond3A_201 {
        %dma_wait3A_221 = arith.constant 1 : i32
        %dma_wait3A_222 = arith.constant 0 : i32
        %dma_wait3A_223 = tpu.memref_slice %arg7[%dma_wait3A_221, %dma_wait3A_222] : memref<2x256xf32, #tpu.memory_space<vmem>> -> memref<1x256xf32, #tpu.memory_space<vmem>>
        %dma_wait3A_224 = tpu.memref_squeeze %dma_wait3A_223 : memref<1x256xf32, #tpu.memory_space<vmem>> -> memref<256xf32, #tpu.memory_space<vmem>>
        %dma_wait3A_225 = arith.constant 0 : i32
        %dma_wait3A_226 = tpu.memref_slice %arg4[%add3A_78, %dma_wait3A_225] : memref<64x4096xf32, #tpu.memory_space<hbm>> -> memref<1x256xf32, #tpu.memory_space<hbm>>
        %dma_wait3A_227 = tpu.memref_squeeze %dma_wait3A_226 : memref<1x256xf32, #tpu.memory_space<hbm>> -> memref<256xf32, #tpu.memory_space<hbm>>
        %dma_wait3A_228 = arith.constant 0 : i32
        %dma_wait3A_229 = tpu.memref_slice %arg4[%add3A_78, %dma_wait3A_228] : memref<64x4096xf32, #tpu.memory_space<hbm>> -> memref<1x256xf32, #tpu.memory_space<hbm>>
        %dma_wait3A_230 = tpu.memref_squeeze %dma_wait3A_229 : memref<1x256xf32, #tpu.memory_space<hbm>> -> memref<256xf32, #tpu.memory_space<hbm>>
        %dma_wait3A_231 = arith.constant 0 : i32
        %dma_wait3A_232 = tpu.memref_slice %arg7[%dma_wait3A_221, %dma_wait3A_231] : memref<2x256xf32, #tpu.memory_space<vmem>> -> memref<1x256xf32, #tpu.memory_space<vmem>>
        %dma_wait3A_233 = tpu.memref_squeeze %dma_wait3A_232 : memref<1x256xf32, #tpu.memory_space<vmem>> -> memref<256xf32, #tpu.memory_space<vmem>>
        tpu.wait_dma2 semaphore(%arg13 : memref<!tpu.dma_semaphore, #tpu.memory_space<semaphore_mem>>) src(%dma_wait3A_233 : memref<256xf32, #tpu.memory_space<vmem>>) dst(%dma_wait3A_230 : memref<256xf32, #tpu.memory_space<hbm>>)
      } else {
      }
      %scan3A_202 = arith.constant 0 : i32
      %scan3A_203 = arith.constant 0 : i32
      %scan3A_204 = arith.constant 16 : i32
      %scan3A_205 = arith.addi %scan3A_203, %scan3A_204 : i32
      %scan3A_206 = arith.constant 1 : i32
      scf.for %scan3A_221 = %scan3A_203 to %scan3A_205 step %scan3A_206  : i32 {
        %mul3A_222 = arith.constant 16 : i32
        %mul3A_223 = arith.muli %scan3A_221, %mul3A_222 : i32
        %get3A = arith.constant 1 : i32
        %get3A_224 = arith.constant 0 : i32
        %get3A_225 = arith.index_cast %get3A : i32 to index
        %get3A_226 = arith.index_cast %get3A_224 : i32 to index
        %get3A_227 = arith.index_cast %mul3A_223 : i32 to index
        %get3A_228 = tpu.vector_load %arg6[%get3A_225, %get3A_226, %get3A_227] {strides = array<i32>} : memref<2x32x256xi32, #tpu.memory_space<vmem>>, vector<16xi32>,
        %gather3A = tpu.vector_load_idx %arg5[%get3A_228] : memref<100000xf32, #tpu.memory_space<vmem>>[vector<16xi32>], vector<16xf32>,
        %get3A_229 = arith.constant 1 : i32
        %get3A_230 = arith.constant 1 : i32
        %get3A_231 = arith.index_cast %get3A_229 : i32 to index
        %get3A_232 = arith.index_cast %get3A_230 : i32 to index
        %get3A_233 = arith.index_cast %mul3A_223 : i32 to index
        %get3A_234 = tpu.vector_load %arg6[%get3A_231, %get3A_232, %get3A_233] {strides = array<i32>} : memref<2x32x256xi32, #tpu.memory_space<vmem>>, vector<16xi32>,
        %gather3A_235 = tpu.vector_load_idx %arg5[%get3A_234] : memref<100000xf32, #tpu.memory_space<vmem>>[vector<16xi32>], vector<16xf32>,
        %get3A_236 = arith.constant 1 : i32
        %get3A_237 = arith.constant 2 : i32
        %get3A_238 = arith.index_cast %get3A_236 : i32 to index
        %get3A_239 = arith.index_cast %get3A_237 : i32 to index
        %get3A_240 = arith.index_cast %mul3A_223 : i32 to index
        %get3A_241 = tpu.vector_load %arg6[%get3A_238, %get3A_239, %get3A_240] {strides = array<i32>} : memref<2x32x256xi32, #tpu.memory_space<vmem>>, vector<16xi32>,
        %gather3A_242 = tpu.vector_load_idx %arg5[%get3A_241] : memref<100000xf32, #tpu.memory_space<vmem>>[vector<16xi32>], vector<16xf32>,
        %get3A_243 = arith.constant 1 : i32
        %get3A_244 = arith.constant 3 : i32
        %get3A_245 = arith.index_cast %get3A_243 : i32 to index
        %get3A_246 = arith.index_cast %get3A_244 : i32 to index
        %get3A_247 = arith.index_cast %mul3A_223 : i32 to index
        %get3A_248 = tpu.vector_load %arg6[%get3A_245, %get3A_246, %get3A_247] {strides = array<i32>} : memref<2x32x256xi32, #tpu.memory_space<vmem>>, vector<16xi32>,
        %gather3A_249 = tpu.vector_load_idx %arg5[%get3A_248] : memref<100000xf32, #tpu.memory_space<vmem>>[vector<16xi32>], vector<16xf32>,
        %get3A_250 = arith.constant 1 : i32
        %get3A_251 = arith.constant 4 : i32
        %get3A_252 = arith.index_cast %get3A_250 : i32 to index
        %get3A_253 = arith.index_cast %get3A_251 : i32 to index
        %get3A_254 = arith.index_cast %mul3A_223 : i32 to index
        %get3A_255 = tpu.vector_load %arg6[%get3A_252, %get3A_253, %get3A_254] {strides = array<i32>} : memref<2x32x256xi32, #tpu.memory_space<vmem>>, vector<16xi32>,
        %gather3A_256 = tpu.vector_load_idx %arg5[%get3A_255] : memref<100000xf32, #tpu.memory_space<vmem>>[vector<16xi32>], vector<16xf32>,
        %get3A_257 = arith.constant 1 : i32
        %get3A_258 = arith.constant 5 : i32
        %get3A_259 = arith.index_cast %get3A_257 : i32 to index
        %get3A_260 = arith.index_cast %get3A_258 : i32 to index
        %get3A_261 = arith.index_cast %mul3A_223 : i32 to index
        %get3A_262 = tpu.vector_load %arg6[%get3A_259, %get3A_260, %get3A_261] {strides = array<i32>} : memref<2x32x256xi32, #tpu.memory_space<vmem>>, vector<16xi32>,
        %gather3A_263 = tpu.vector_load_idx %arg5[%get3A_262] : memref<100000xf32, #tpu.memory_space<vmem>>[vector<16xi32>], vector<16xf32>,
        %get3A_264 = arith.constant 1 : i32
        %get3A_265 = arith.constant 6 : i32
        %get3A_266 = arith.index_cast %get3A_264 : i32 to index
        %get3A_267 = arith.index_cast %get3A_265 : i32 to index
        %get3A_268 = arith.index_cast %mul3A_223 : i32 to index
        %get3A_269 = tpu.vector_load %arg6[%get3A_266, %get3A_267, %get3A_268] {strides = array<i32>} : memref<2x32x256xi32, #tpu.memory_space<vmem>>, vector<16xi32>,
        %gather3A_270 = tpu.vector_load_idx %arg5[%get3A_269] : memref<100000xf32, #tpu.memory_space<vmem>>[vector<16xi32>], vector<16xf32>,
        %get3A_271 = arith.constant 1 : i32
        %get3A_272 = arith.constant 7 : i32
        %get3A_273 = arith.index_cast %get3A_271 : i32 to index
        %get3A_274 = arith.index_cast %get3A_272 : i32 to index
        %get3A_275 = arith.index_cast %mul3A_223 : i32 to index
        %get3A_276 = tpu.vector_load %arg6[%get3A_273, %get3A_274, %get3A_275] {strides = array<i32>} : memref<2x32x256xi32, #tpu.memory_space<vmem>>, vector<16xi32>,
        %gather3A_277 = tpu.vector_load_idx %arg5[%get3A_276] : memref<100000xf32, #tpu.memory_space<vmem>>[vector<16xi32>], vector<16xf32>,
        %get3A_278 = arith.constant 1 : i32
        %get3A_279 = arith.constant 8 : i32
        %get3A_280 = arith.index_cast %get3A_278 : i32 to index
        %get3A_281 = arith.index_cast %get3A_279 : i32 to index
        %get3A_282 = arith.index_cast %mul3A_223 : i32 to index
        %get3A_283 = tpu.vector_load %arg6[%get3A_280, %get3A_281, %get3A_282] {strides = array<i32>} : memref<2x32x256xi32, #tpu.memory_space<vmem>>, vector<16xi32>,
        %gather3A_284 = tpu.vector_load_idx %arg5[%get3A_283] : memref<100000xf32, #tpu.memory_space<vmem>>[vector<16xi32>], vector<16xf32>,
        %get3A_285 = arith.constant 1 : i32
        %get3A_286 = arith.constant 9 : i32
        %get3A_287 = arith.index_cast %get3A_285 : i32 to index
        %get3A_288 = arith.index_cast %get3A_286 : i32 to index
        %get3A_289 = arith.index_cast %mul3A_223 : i32 to index
        %get3A_290 = tpu.vector_load %arg6[%get3A_287, %get3A_288, %get3A_289] {strides = array<i32>} : memref<2x32x256xi32, #tpu.memory_space<vmem>>, vector<16xi32>,
        %gather3A_291 = tpu.vector_load_idx %arg5[%get3A_290] : memref<100000xf32, #tpu.memory_space<vmem>>[vector<16xi32>], vector<16xf32>,
        %get3A_292 = arith.constant 1 : i32
        %get3A_293 = arith.constant 10 : i32
        %get3A_294 = arith.index_cast %get3A_292 : i32 to index
        %get3A_295 = arith.index_cast %get3A_293 : i32 to index
        %get3A_296 = arith.index_cast %mul3A_223 : i32 to index
        %get3A_297 = tpu.vector_load %arg6[%get3A_294, %get3A_295, %get3A_296] {strides = array<i32>} : memref<2x32x256xi32, #tpu.memory_space<vmem>>, vector<16xi32>,
        %gather3A_298 = tpu.vector_load_idx %arg5[%get3A_297] : memref<100000xf32, #tpu.memory_space<vmem>>[vector<16xi32>], vector<16xf32>,
        %get3A_299 = arith.constant 1 : i32
        %get3A_300 = arith.constant 11 : i32
        %get3A_301 = arith.index_cast %get3A_299 : i32 to index
        %get3A_302 = arith.index_cast %get3A_300 : i32 to index
        %get3A_303 = arith.index_cast %mul3A_223 : i32 to index
        %get3A_304 = tpu.vector_load %arg6[%get3A_301, %get3A_302, %get3A_303] {strides = array<i32>} : memref<2x32x256xi32, #tpu.memory_space<vmem>>, vector<16xi32>,
        %gather3A_305 = tpu.vector_load_idx %arg5[%get3A_304] : memref<100000xf32, #tpu.memory_space<vmem>>[vector<16xi32>], vector<16xf32>,
        %get3A_306 = arith.constant 1 : i32
        %get3A_307 = arith.constant 12 : i32
        %get3A_308 = arith.index_cast %get3A_306 : i32 to index
        %get3A_309 = arith.index_cast %get3A_307 : i32 to index
        %get3A_310 = arith.index_cast %mul3A_223 : i32 to index
        %get3A_311 = tpu.vector_load %arg6[%get3A_308, %get3A_309, %get3A_310] {strides = array<i32>} : memref<2x32x256xi32, #tpu.memory_space<vmem>>, vector<16xi32>,
        %gather3A_312 = tpu.vector_load_idx %arg5[%get3A_311] : memref<100000xf32, #tpu.memory_space<vmem>>[vector<16xi32>], vector<16xf32>,
        %get3A_313 = arith.constant 1 : i32
        %get3A_314 = arith.constant 13 : i32
        %get3A_315 = arith.index_cast %get3A_313 : i32 to index
        %get3A_316 = arith.index_cast %get3A_314 : i32 to index
        %get3A_317 = arith.index_cast %mul3A_223 : i32 to index
        %get3A_318 = tpu.vector_load %arg6[%get3A_315, %get3A_316, %get3A_317] {strides = array<i32>} : memref<2x32x256xi32, #tpu.memory_space<vmem>>, vector<16xi32>,
        %gather3A_319 = tpu.vector_load_idx %arg5[%get3A_318] : memref<100000xf32, #tpu.memory_space<vmem>>[vector<16xi32>], vector<16xf32>,
        %get3A_320 = arith.constant 1 : i32
        %get3A_321 = arith.constant 14 : i32
        %get3A_322 = arith.index_cast %get3A_320 : i32 to index
        %get3A_323 = arith.index_cast %get3A_321 : i32 to index
        %get3A_324 = arith.index_cast %mul3A_223 : i32 to index
        %get3A_325 = tpu.vector_load %arg6[%get3A_322, %get3A_323, %get3A_324] {strides = array<i32>} : memref<2x32x256xi32, #tpu.memory_space<vmem>>, vector<16xi32>,
        %gather3A_326 = tpu.vector_load_idx %arg5[%get3A_325] : memref<100000xf32, #tpu.memory_space<vmem>>[vector<16xi32>], vector<16xf32>,
        %get3A_327 = arith.constant 1 : i32
        %get3A_328 = arith.constant 15 : i32
        %get3A_329 = arith.index_cast %get3A_327 : i32 to index
        %get3A_330 = arith.index_cast %get3A_328 : i32 to index
        %get3A_331 = arith.index_cast %mul3A_223 : i32 to index
        %get3A_332 = tpu.vector_load %arg6[%get3A_329, %get3A_330, %get3A_331] {strides = array<i32>} : memref<2x32x256xi32, #tpu.memory_space<vmem>>, vector<16xi32>,
        %gather3A_333 = tpu.vector_load_idx %arg5[%get3A_332] : memref<100000xf32, #tpu.memory_space<vmem>>[vector<16xi32>], vector<16xf32>,
        %get3A_334 = arith.constant 1 : i32
        %get3A_335 = arith.constant 16 : i32
        %get3A_336 = arith.index_cast %get3A_334 : i32 to index
        %get3A_337 = arith.index_cast %get3A_335 : i32 to index
        %get3A_338 = arith.index_cast %mul3A_223 : i32 to index
        %get3A_339 = tpu.vector_load %arg6[%get3A_336, %get3A_337, %get3A_338] {strides = array<i32>} : memref<2x32x256xi32, #tpu.memory_space<vmem>>, vector<16xi32>,
        %gather3A_340 = tpu.vector_load_idx %arg5[%get3A_339] : memref<100000xf32, #tpu.memory_space<vmem>>[vector<16xi32>], vector<16xf32>,
        %get3A_341 = arith.constant 1 : i32
        %get3A_342 = arith.constant 17 : i32
        %get3A_343 = arith.index_cast %get3A_341 : i32 to index
        %get3A_344 = arith.index_cast %get3A_342 : i32 to index
        %get3A_345 = arith.index_cast %mul3A_223 : i32 to index
        %get3A_346 = tpu.vector_load %arg6[%get3A_343, %get3A_344, %get3A_345] {strides = array<i32>} : memref<2x32x256xi32, #tpu.memory_space<vmem>>, vector<16xi32>,
        %gather3A_347 = tpu.vector_load_idx %arg5[%get3A_346] : memref<100000xf32, #tpu.memory_space<vmem>>[vector<16xi32>], vector<16xf32>,
        %get3A_348 = arith.constant 1 : i32
        %get3A_349 = arith.constant 18 : i32
        %get3A_350 = arith.index_cast %get3A_348 : i32 to index
        %get3A_351 = arith.index_cast %get3A_349 : i32 to index
        %get3A_352 = arith.index_cast %mul3A_223 : i32 to index
        %get3A_353 = tpu.vector_load %arg6[%get3A_350, %get3A_351, %get3A_352] {strides = array<i32>} : memref<2x32x256xi32, #tpu.memory_space<vmem>>, vector<16xi32>,
        %gather3A_354 = tpu.vector_load_idx %arg5[%get3A_353] : memref<100000xf32, #tpu.memory_space<vmem>>[vector<16xi32>], vector<16xf32>,
        %get3A_355 = arith.constant 1 : i32
        %get3A_356 = arith.constant 19 : i32
        %get3A_357 = arith.index_cast %get3A_355 : i32 to index
        %get3A_358 = arith.index_cast %get3A_356 : i32 to index
        %get3A_359 = arith.index_cast %mul3A_223 : i32 to index
        %get3A_360 = tpu.vector_load %arg6[%get3A_357, %get3A_358, %get3A_359] {strides = array<i32>} : memref<2x32x256xi32, #tpu.memory_space<vmem>>, vector<16xi32>,
        %gather3A_361 = tpu.vector_load_idx %arg5[%get3A_360] : memref<100000xf32, #tpu.memory_space<vmem>>[vector<16xi32>], vector<16xf32>,
        %get3A_362 = arith.constant 1 : i32
        %get3A_363 = arith.constant 20 : i32
        %get3A_364 = arith.index_cast %get3A_362 : i32 to index
        %get3A_365 = arith.index_cast %get3A_363 : i32 to index
        %get3A_366 = arith.index_cast %mul3A_223 : i32 to index
        %get3A_367 = tpu.vector_load %arg6[%get3A_364, %get3A_365, %get3A_366] {strides = array<i32>} : memref<2x32x256xi32, #tpu.memory_space<vmem>>, vector<16xi32>,
        %gather3A_368 = tpu.vector_load_idx %arg5[%get3A_367] : memref<100000xf32, #tpu.memory_space<vmem>>[vector<16xi32>], vector<16xf32>,
        %get3A_369 = arith.constant 1 : i32
        %get3A_370 = arith.constant 21 : i32
        %get3A_371 = arith.index_cast %get3A_369 : i32 to index
        %get3A_372 = arith.index_cast %get3A_370 : i32 to index
        %get3A_373 = arith.index_cast %mul3A_223 : i32 to index
        %get3A_374 = tpu.vector_load %arg6[%get3A_371, %get3A_372, %get3A_373] {strides = array<i32>} : memref<2x32x256xi32, #tpu.memory_space<vmem>>, vector<16xi32>,
        %gather3A_375 = tpu.vector_load_idx %arg5[%get3A_374] : memref<100000xf32, #tpu.memory_space<vmem>>[vector<16xi32>], vector<16xf32>,
        %get3A_376 = arith.constant 1 : i32
        %get3A_377 = arith.constant 22 : i32
        %get3A_378 = arith.index_cast %get3A_376 : i32 to index
        %get3A_379 = arith.index_cast %get3A_377 : i32 to index
        %get3A_380 = arith.index_cast %mul3A_223 : i32 to index
        %get3A_381 = tpu.vector_load %arg6[%get3A_378, %get3A_379, %get3A_380] {strides = array<i32>} : memref<2x32x256xi32, #tpu.memory_space<vmem>>, vector<16xi32>,
        %gather3A_382 = tpu.vector_load_idx %arg5[%get3A_381] : memref<100000xf32, #tpu.memory_space<vmem>>[vector<16xi32>], vector<16xf32>,
        %get3A_383 = arith.constant 1 : i32
        %get3A_384 = arith.constant 23 : i32
        %get3A_385 = arith.index_cast %get3A_383 : i32 to index
        %get3A_386 = arith.index_cast %get3A_384 : i32 to index
        %get3A_387 = arith.index_cast %mul3A_223 : i32 to index
        %get3A_388 = tpu.vector_load %arg6[%get3A_385, %get3A_386, %get3A_387] {strides = array<i32>} : memref<2x32x256xi32, #tpu.memory_space<vmem>>, vector<16xi32>,
        %gather3A_389 = tpu.vector_load_idx %arg5[%get3A_388] : memref<100000xf32, #tpu.memory_space<vmem>>[vector<16xi32>], vector<16xf32>,
        %get3A_390 = arith.constant 1 : i32
        %get3A_391 = arith.constant 24 : i32
        %get3A_392 = arith.index_cast %get3A_390 : i32 to index
        %get3A_393 = arith.index_cast %get3A_391 : i32 to index
        %get3A_394 = arith.index_cast %mul3A_223 : i32 to index
        %get3A_395 = tpu.vector_load %arg6[%get3A_392, %get3A_393, %get3A_394] {strides = array<i32>} : memref<2x32x256xi32, #tpu.memory_space<vmem>>, vector<16xi32>,
        %gather3A_396 = tpu.vector_load_idx %arg5[%get3A_395] : memref<100000xf32, #tpu.memory_space<vmem>>[vector<16xi32>], vector<16xf32>,
        %get3A_397 = arith.constant 1 : i32
        %get3A_398 = arith.constant 25 : i32
        %get3A_399 = arith.index_cast %get3A_397 : i32 to index
        %get3A_400 = arith.index_cast %get3A_398 : i32 to index
        %get3A_401 = arith.index_cast %mul3A_223 : i32 to index
        %get3A_402 = tpu.vector_load %arg6[%get3A_399, %get3A_400, %get3A_401] {strides = array<i32>} : memref<2x32x256xi32, #tpu.memory_space<vmem>>, vector<16xi32>,
        %gather3A_403 = tpu.vector_load_idx %arg5[%get3A_402] : memref<100000xf32, #tpu.memory_space<vmem>>[vector<16xi32>], vector<16xf32>,
        %add3A_404 = arith.addf %gather3A, %gather3A_235 : vector<16xf32>
        %add3A_405 = arith.addf %gather3A_242, %gather3A_249 : vector<16xf32>
        %add3A_406 = arith.addf %gather3A_256, %gather3A_263 : vector<16xf32>
        %add3A_407 = arith.addf %gather3A_270, %gather3A_277 : vector<16xf32>
        %add3A_408 = arith.addf %gather3A_284, %gather3A_291 : vector<16xf32>
        %add3A_409 = arith.addf %gather3A_298, %gather3A_305 : vector<16xf32>
        %add3A_410 = arith.addf %gather3A_312, %gather3A_319 : vector<16xf32>
        %add3A_411 = arith.addf %gather3A_326, %gather3A_333 : vector<16xf32>
        %add3A_412 = arith.addf %gather3A_340, %gather3A_347 : vector<16xf32>
        %add3A_413 = arith.addf %gather3A_354, %gather3A_361 : vector<16xf32>
        %add3A_414 = arith.addf %gather3A_368, %gather3A_375 : vector<16xf32>
        %add3A_415 = arith.addf %gather3A_382, %gather3A_389 : vector<16xf32>
        %add3A_416 = arith.addf %gather3A_396, %gather3A_403 : vector<16xf32>
        %add3A_417 = arith.addf %add3A_404, %add3A_405 : vector<16xf32>
        %add3A_418 = arith.addf %add3A_406, %add3A_407 : vector<16xf32>
        %add3A_419 = arith.addf %add3A_408, %add3A_409 : vector<16xf32>
        %add3A_420 = arith.addf %add3A_410, %add3A_411 : vector<16xf32>
        %add3A_421 = arith.addf %add3A_412, %add3A_413 : vector<16xf32>
        %add3A_422 = arith.addf %add3A_414, %add3A_415 : vector<16xf32>
        %add3A_423 = arith.addf %add3A_417, %add3A_418 : vector<16xf32>
        %add3A_424 = arith.addf %add3A_419, %add3A_420 : vector<16xf32>
        %add3A_425 = arith.addf %add3A_421, %add3A_422 : vector<16xf32>
        %add3A_426 = arith.addf %add3A_423, %add3A_424 : vector<16xf32>
        %add3A_427 = arith.addf %add3A_425, %add3A_416 : vector<16xf32>
        %add3A_428 = arith.addf %add3A_426, %add3A_427 : vector<16xf32>
        %swap3A = arith.constant 1 : i32
        %swap3A_429 = arith.index_cast %swap3A : i32 to index
        %swap3A_430 = arith.index_cast %mul3A_223 : i32 to index
        %swap3A_431 = tpu.vector_load %arg7[%swap3A_429, %swap3A_430] {strides = array<i32>} : memref<2x256xf32, #tpu.memory_space<vmem>>, vector<16xf32>,
        tpu.vector_store %arg7[%swap3A_429, %swap3A_430], %add3A_428 {strides = array<i32>} : memref<2x256xf32, #tpu.memory_space<vmem>>, vector<16xf32>,
      }
      %scan3A_207 = arith.constant 16 : i32
      %mul3A_208 = arith.constant 256 : i32
      %mul3A_209 = arith.muli %add3A_174, %mul3A_208 : i32
      %dma_start3A_210 = arith.constant 1 : i32
      %dma_start3A_211 = arith.constant 0 : i32
      %dma_start3A_212 = tpu.memref_slice %arg7[%dma_start3A_210, %dma_start3A_211] : memref<2x256xf32, #tpu.memory_space<vmem>> -> memref<1x256xf32, #tpu.memory_space<vmem>>
      %dma_start3A_213 = tpu.memref_squeeze %dma_start3A_212 : memref<1x256xf32, #tpu.memory_space<vmem>> -> memref<256xf32, #tpu.memory_space<vmem>>
      %dma_start3A_214 = tpu.memref_slice %arg4[%add3A_78, %mul3A_209] : memref<64x4096xf32, #tpu.memory_space<hbm>> -> memref<1x256xf32, #tpu.memory_space<hbm>>
      %dma_start3A_215 = tpu.memref_squeeze %dma_start3A_214 : memref<1x256xf32, #tpu.memory_space<hbm>> -> memref<256xf32, #tpu.memory_space<hbm>>
      %dma_start3A_216 = tpu.memref_slice %arg4[%add3A_78, %mul3A_209] : memref<64x4096xf32, #tpu.memory_space<hbm>> -> memref<1x256xf32, #tpu.memory_space<hbm>>
      %dma_start3A_217 = tpu.memref_squeeze %dma_start3A_216 : memref<1x256xf32, #tpu.memory_space<hbm>> -> memref<256xf32, #tpu.memory_space<hbm>>
      %dma_start3A_218 = arith.constant 0 : i32
      %dma_start3A_219 = tpu.memref_slice %arg7[%dma_start3A_210, %dma_start3A_218] : memref<2x256xf32, #tpu.memory_space<vmem>> -> memref<1x256xf32, #tpu.memory_space<vmem>>
      %dma_start3A_220 = tpu.memref_squeeze %dma_start3A_219 : memref<1x256xf32, #tpu.memory_space<vmem>> -> memref<256xf32, #tpu.memory_space<vmem>>
      tpu.enqueue_dma source(%dma_start3A_220 : memref<256xf32, #tpu.memory_space<vmem>>) target(%dma_start3A_217 : memref<256xf32, #tpu.memory_space<hbm>>) target_semaphore(%arg13 : memref<!tpu.dma_semaphore, #tpu.memory_space<semaphore_mem>>)
    }
    %scan3A_99 = arith.constant 8 : i32
    %dma_wait3A_100 = arith.constant 0 : i32
    %dma_wait3A_101 = arith.constant 0 : i32
    %dma_wait3A_102 = tpu.memref_slice %arg7[%dma_wait3A_100, %dma_wait3A_101] : memref<2x256xf32, #tpu.memory_space<vmem>> -> memref<1x256xf32, #tpu.memory_space<vmem>>
    %dma_wait3A_103 = tpu.memref_squeeze %dma_wait3A_102 : memref<1x256xf32, #tpu.memory_space<vmem>> -> memref<256xf32, #tpu.memory_space<vmem>>
    %dma_wait3A_104 = arith.constant 0 : i32
    %dma_wait3A_105 = tpu.memref_slice %arg4[%add3A_78, %dma_wait3A_104] : memref<64x4096xf32, #tpu.memory_space<hbm>> -> memref<1x256xf32, #tpu.memory_space<hbm>>
    %dma_wait3A_106 = tpu.memref_squeeze %dma_wait3A_105 : memref<1x256xf32, #tpu.memory_space<hbm>> -> memref<256xf32, #tpu.memory_space<hbm>>
    %dma_wait3A_107 = arith.constant 0 : i32
    %dma_wait3A_108 = tpu.memref_slice %arg4[%add3A_78, %dma_wait3A_107] : memref<64x4096xf32, #tpu.memory_space<hbm>> -> memref<1x256xf32, #tpu.memory_space<hbm>>
    %dma_wait3A_109 = tpu.memref_squeeze %dma_wait3A_108 : memref<1x256xf32, #tpu.memory_space<hbm>> -> memref<256xf32, #tpu.memory_space<hbm>>
    %dma_wait3A_110 = arith.constant 0 : i32
    %dma_wait3A_111 = tpu.memref_slice %arg7[%dma_wait3A_100, %dma_wait3A_110] : memref<2x256xf32, #tpu.memory_space<vmem>> -> memref<1x256xf32, #tpu.memory_space<vmem>>
    %dma_wait3A_112 = tpu.memref_squeeze %dma_wait3A_111 : memref<1x256xf32, #tpu.memory_space<vmem>> -> memref<256xf32, #tpu.memory_space<vmem>>
    tpu.wait_dma2 semaphore(%arg13 : memref<!tpu.dma_semaphore, #tpu.memory_space<semaphore_mem>>) src(%dma_wait3A_112 : memref<256xf32, #tpu.memory_space<vmem>>) dst(%dma_wait3A_109 : memref<256xf32, #tpu.memory_space<hbm>>)
    %dma_wait3A_113 = arith.constant 1 : i32
    %dma_wait3A_114 = arith.constant 0 : i32
    %dma_wait3A_115 = tpu.memref_slice %arg7[%dma_wait3A_113, %dma_wait3A_114] : memref<2x256xf32, #tpu.memory_space<vmem>> -> memref<1x256xf32, #tpu.memory_space<vmem>>
    %dma_wait3A_116 = tpu.memref_squeeze %dma_wait3A_115 : memref<1x256xf32, #tpu.memory_space<vmem>> -> memref<256xf32, #tpu.memory_space<vmem>>
    %dma_wait3A_117 = arith.constant 0 : i32
    %dma_wait3A_118 = tpu.memref_slice %arg4[%add3A_78, %dma_wait3A_117] : memref<64x4096xf32, #tpu.memory_space<hbm>> -> memref<1x256xf32, #tpu.memory_space<hbm>>
    %dma_wait3A_119 = tpu.memref_squeeze %dma_wait3A_118 : memref<1x256xf32, #tpu.memory_space<hbm>> -> memref<256xf32, #tpu.memory_space<hbm>>
    %dma_wait3A_120 = arith.constant 0 : i32
    %dma_wait3A_121 = tpu.memref_slice %arg4[%add3A_78, %dma_wait3A_120] : memref<64x4096xf32, #tpu.memory_space<hbm>> -> memref<1x256xf32, #tpu.memory_space<hbm>>
    %dma_wait3A_122 = tpu.memref_squeeze %dma_wait3A_121 : memref<1x256xf32, #tpu.memory_space<hbm>> -> memref<256xf32, #tpu.memory_space<hbm>>
    %dma_wait3A_123 = arith.constant 0 : i32
    %dma_wait3A_124 = tpu.memref_slice %arg7[%dma_wait3A_113, %dma_wait3A_123] : memref<2x256xf32, #tpu.memory_space<vmem>> -> memref<1x256xf32, #tpu.memory_space<vmem>>
    %dma_wait3A_125 = tpu.memref_squeeze %dma_wait3A_124 : memref<1x256xf32, #tpu.memory_space<vmem>> -> memref<256xf32, #tpu.memory_space<vmem>>
    tpu.wait_dma2 semaphore(%arg13 : memref<!tpu.dma_semaphore, #tpu.memory_space<semaphore_mem>>) src(%dma_wait3A_125 : memref<256xf32, #tpu.memory_space<vmem>>) dst(%dma_wait3A_122 : memref<256xf32, #tpu.memory_space<hbm>>)
    return
  }
}

</mosaic_0001>

<sc_bundles>
// kernel: kernel.3.cloned.1.call-start
scs
__scs_entry_jumppad:
0x0: {  	(pc) =	sbr.rel $0x88, $3  }
0x1: {  	(tag) =	ssettag $0x0;
	lr =	simm.s32 $0x1  }
0x2: {  	[smem:$0x3F9F] =	sst lr;
	_ =	strace $0xD0000000  }
0x3: {  	_ = 	snop  }
0x4: {  	_ = 	snop  }
0x5: {  	_ = 	snop  }
0x6: {  	_ = 	snop  }
0x7: {  	_ = 	snop  }
__scs_overlays_trampoline_lowered:
0x8: {  	[smem:$0x3FAE] =	sst s0  }
0x9: {  	[smem:$0x3FAF] =	sst s1  }
0xa: {  	[smem:$0x3FB0] =	sst s2  }
0xb: {  	[smem:$0x3FB1] =	sst s3  }
0xc: {  	[smem:$0x3FB2] =	sst s4  }
0xd: {  	[smem:$0x3FB3] =	sst s5  }
0xe: {  	[smem:$0x3FB4] =	sst s6  }
0xf: {  	[smem:$0x3FB5] =	sst s7  }
0x10: {  	[smem:$0x3FB6] =	sst s8  }
0x11: {  	[smem:$0x3FB7] =	sst s9;
	s0 =	simm.s32 @!p0 $0x0  }
0x12: {  	s1 =	sld [smem:$0x3F9D];
	s0 =	simm.s32 @p0 $0x1  }
0x13: {  	[smem:$0x3FB8] =	sst s0;
	s0 =	simm.s32 @!p1 $0x0  }
0x14: {  	s2 =	sld [smem:$0x3F9C];
	s0 =	simm.s32 @p1 $0x1  }
0x15: {  	[smem:$0x3FB9] =	sst s0;
	s0 =	simm.s32 @!p2 $0x0  }
0x16: {  	s3 =	sld [smem:$0x3FDB];
	s0 =	simm.s32 @p2 $0x1  }
0x17: {  	s4 =	simm.s32 $0x1BF5;
	[smem:$0x3FBB] =	sst s0  }
0x18: {  	s0 =	sld [smem:$0x3F9E];
	_ =	swait.ge [sflag:s4], $0x0  }
0x19: {  	s7 =	sld [smem:$0x3F9F]  }
0x1a: {  	s8 =	sadd.s32 $0xFFFFE003, lr  }
0x1b: {  	s9 =	sadd.s32 $0xFFFFFEF7, lr;
	s5 =	simm.s32 $0xFFFFFFFF;
	p2 =	slt.u32 s8, $0xFFFFF086  }
0x1c: {  	p1 =	slt.u32 s9, $0xF7A;
	s5 =	simm.s32 @!p2 $0x0  }
0x1d: {  	s5 =	simm.s32 @p1 $0x1;
	p0 =	seq.s32 s7, s2  }
0x1e: {  	s7 =	smul.u32 @!p0 $0xF7A, s2;
	p2 =	seq.s32 @!p0 s5, $0x0  }
0x1f: {  	s9 =	smul.u32 $0xF7A, s1;
	s8 =	simm.s32 @!p0 $0x1BF5;
	p2 =	por !p2, p0  }
0x20: {  	[sflag:s8] =	ssyncset.s32 @!p0 $0xFFFFF086;
	s6 =	sadd.s32 @!p0 s3, s7;
	s7 =	simm.s32 @!p0 $0x108  }
0x21: {  	s3 =	sadd.s32 s3, s9;
	s6 =	sadd.s32 @!p0 $0x88, s6;
	s7 =	simm.s32 @p2 $0x1082  }
0x22: {  	[simem:s7], [sflag:s8] =	dma.local @!p0 [hbm:s6], $0xF7A  }
0x23: {  	s9 =	sor.u32 $0xD0000000, s2;
	s6 =	simm.s32 $0x108;
	_ =	swait.ge @!p0 [sflag:s8], $0x0  }
0x24: {  	s3 =	sadd.s32 $0x88, s3;
	s6 =	simm.s32 @!p1 $0x1082;
	[sflag:s4] =	ssyncset.s32 $0xFFFFF086  }
0x25: {  	[simem:s6], [sflag:s4] =	dma.local [hbm:s3], $0xF7A  }
0x26: {  	[smem:$0x3F9F] =	sst s1;
	(tag) =	ssettag s2;
	_ =	strace s9  }
0x27: {  	s1 =	sld [smem:$0x3FAF]  }
0x28: {  	s2 =	sld [smem:$0x3FB0]  }
0x29: {  	s4 =	sld [smem:$0x3FB2]  }
0x2a: {  	p0 =	seq.s32 s5, $0x0;
	s5 =	sld [smem:$0x3FB3]  }
0x2b: {  	s6 =	sld [smem:$0x3FB4]  }
0x2c: {  	s7 =	sld [smem:$0x3FB5]  }
0x2d: {  	s3 =	simm.s32 $0x108;
	s8 =	sld [smem:$0x3FB6]  }
0x2e: {  	s3 =	simm.s32 @!p0 $0x1082;
	s9 =	sld [smem:$0x3FB7]  }
0x2f: {  	lr =	sadd.s32 s0, s3;
	s0 =	sld [smem:$0x3FAE]  }
0x30: {  	s3 =	sld [smem:$0x3FB1]  }
0x31: {  	[smem:$0x3FBA] =	sst s10  }
0x32: {  	s10 =	sld [smem:$0x3FB8];
	_ =	sdelay $0x3  }
0x33: {  	p0 =	seq.s32 s10, $0x1;
	s10 =	sld [smem:$0x3FBA];
	_ =	sdelay $0x3  }
0x34: {  	[smem:$0x3FBA] =	sst s10  }
0x35: {  	s10 =	sld [smem:$0x3FB9];
	_ =	sdelay $0x3  }
0x36: {  	p1 =	seq.s32 s10, $0x1;
	s10 =	sld [smem:$0x3FBA];
	_ =	sdelay $0x3  }
0x37: {  	[smem:$0x3FBA] =	sst s10  }
0x38: {  	s10 =	sld [smem:$0x3FBB]  }
0x39: {  	_ = 	snop;
	(pc) =	sbr.ind lr, $3  }
0x3a: {  	_ = 	snop  }
0x3b: {  	_ = 	snop  }
0x3c: {  	p2 =	seq.s32 s10, $0x1;
	s10 =	sld [smem:$0x3FBA]  }
0x3d: {  	_ =	shalt  }
0x3e: {  	_ =	shalt  }
0x3f: {  	_ =	shalt  }
0x40: {  	_ =	shalt  }
0x41: {  	_ =	shalt  }
0x42: {  	_ =	shalt  }
0x43: {  	_ =	shalt  }
0x44: {  	_ =	shalt  }
0x45: {  	_ =	shalt  }
0x46: {  	_ =	shalt  }
0x47: {  	_ =	shalt  }
0x48: {  	_ =	shalt  }
0x49: {  	_ =	shalt  }
0x4a: {  	_ =	shalt  }
0x4b: {  	_ =	shalt  }
0x4c: {  	_ =	shalt  }
0x4d: {  	_ =	shalt  }
0x4e: {  	_ =	shalt  }
0x4f: {  	_ =	shalt  }
0x50: {  	_ =	shalt  }
0x51: {  	_ =	shalt  }
0x52: {  	_ =	shalt  }
0x53: {  	_ =	shalt  }
0x54: {  	_ =	shalt  }
0x55: {  	_ =	shalt  }
0x56: {  	_ =	shalt  }
0x57: {  	_ =	shalt  }
0x58: {  	_ =	shalt  }
0x59: {  	_ =	shalt  }
0x5a: {  	_ =	shalt  }
0x5b: {  	_ =	shalt  }
0x5c: {  	_ =	shalt  }
0x5d: {  	_ =	shalt  }
0x5e: {  	_ =	shalt  }
0x5f: {  	_ =	shalt  }
0x60: {  	_ =	shalt  }
0x61: {  	_ =	shalt  }
0x62: {  	_ =	shalt  }
0x63: {  	_ =	shalt  }
0x64: {  	_ =	shalt  }
0x65: {  	_ =	shalt  }
0x66: {  	_ =	shalt  }
0x67: {  	_ =	shalt  }
0x68: {  	_ =	shalt  }
0x69: {  	_ =	shalt  }
0x6a: {  	_ =	shalt  }
0x6b: {  	_ =	shalt  }
0x6c: {  	_ =	shalt  }
0x6d: {  	_ =	shalt  }
0x6e: {  	_ =	shalt  }
0x6f: {  	_ =	shalt  }
0x70: {  	_ =	shalt  }
0x71: {  	_ =	shalt  }
0x72: {  	_ =	shalt  }
0x73: {  	_ =	shalt  }
0x74: {  	_ =	shalt  }
0x75: {  	_ =	shalt  }
0x76: {  	_ =	shalt  }
0x77: {  	_ =	shalt  }
0x78: {  	_ =	shalt  }
0x79: {  	_ =	shalt  }
0x7a: {  	_ =	shalt  }
0x7b: {  	_ =	shalt  }
0x7c: {  	_ =	shalt  }
0x7d: {  	_ =	shalt  }
0x7e: {  	_ =	shalt  }
0x7f: {  	_ =	shalt  }
0x80: {  	_ =	shalt  }
0x81: {  	_ =	shalt  }
0x82: {  	_ =	shalt  }
0x83: {  	_ =	shalt  }
0x84: {  	_ =	shalt  }
0x85: {  	_ =	shalt  }
0x86: {  	_ =	shalt  }
0x87: {  	_ =	shalt  }
.Lfunc_end0:
.L_simem_size_0:
called_computation_lowered:
.L_overlay_start_0:
0x88: {  	s2 =	sld [smem:$0x3FD9]  }
0x89: {  	s3 =	sld [smem:$0x3FFE];
	_ =	sdelay $0x1  }
0x8a: {  	s1 =	srdreg.scid  }
0x8b: {  	s0 =	sand.u32 $0x1, s1  }
0x8c: {  	s17 =	sshll.u32 s0, $0xA;
	s2 =	sadd.s32 s3, s2  }
0x8d: {  	s2 =	sadd.s32 s2, s17  }
0x8e: {  	[smem:$0x3FC6] =	sst s2  }
0x8f: {  	_ = 	snop  }
0x90: {  	s2 =	sld [smem:$0x3FC8]  }
0x91: {  	s18 =	sld [smem:$0x3FD0];
	(tm) =	ssettm $0x1  }
0x92: {  	s4 =	sld [smem:$0x3FFB];
	_ =	sdelay $0x3  }
0x93: {  	_ =	strace s4  }
0x94: {  	s4 =	sld [smem:$0x3FFC];
	_ =	sdelay $0x3  }
0x95: {  	_ =	strace s4  }
0x96: {  	s4 =	sld [smem:$0x3FFD];
	_ =	sdelay $0x3  }
0x97: {  	_ =	strace s4  }
0x98: {  	_ =	strace $0x8FFFFFFF  }
0x99: {  	s19 =	sld [smem:$0x3FDB];
	_ =	sdelay $0x1  }
0x9a: {  	s5 =	simm.s32 $_scs_section_size  }
0x9b: {  	s6 =	simm.s32 $_size__tile_overlayer_lowered;
	s7 =	simm.s32 $_tile_overlayer_lowered  }
0x9c: {  	s22 =	simm.s32 $0x1BFF;
	s21 =	sshll.u32 s7, $0x1;
	s4 =	sadd.s32 s5, s19  }
0x9d: {  	s8 =	simm.s32 $0x0;
	s20 =	sshll.u32 s6, $0x1;
	s6 =	sadd.s32 s21, s4  }
0x9e: {  	[timem:s8], [sflag:s22] =	dma.local [hbm:s6], s20  }
0x9f: {  	_ =	swait.ge [sflag:s22], s20  }
0xa0: {  	s5 =	ssub.s32 $0x0, s20;
	[sflag:s22] =	ssyncset.done $0x0  }
0xa1: {  	[sflag:s22] =	ssyncadd.s32 s5;
	_ =	sdelay $0x1  }
0xa2: {  	s23 =	simm.s32 $0x1B8B  }
0xa3: {  	_ =	swait.ge [sflag:s23], $0x1  }
0xa4: {  	[sflag:s23] =	ssyncset.done $0x0  }
0xa5: {  	s25 =	simm.s32 $0x1B8E;
	s24 =	sld [smem:$0x3FFE];
	[sflag:s23] =	ssyncadd.s32 $0xFFFFFFFF  }
0xa6: {  	s26 =	simm.s32 $execute0_lowered;
	[smem:$0x3FD2] =	sst s25  }
0xa7: {  	s6 =	sshll.u32 s26, $0x1;
	_ =	strace $0x80000046;
	[dreg:$0x1] =	wrdreg $0xFFFFFFFF  }
0xa8: {  	s28 =	simm.s32 $_size_execute0_lowered;
	s4 =	sadd.s32 s4, s6;
	[dreg:$0x0] =	wrdreg $0x0  }
0xa9: {  	s6 =	sshll.u32 s28, $0x1;
	[dreg:$0x2] =	wrdreg s4  }
0xaa: {  	[dreg:$0x3] =	wrdreg s6  }
0xab: {  	[dreg:$0x4] =	wrdreg $0xC0  }
0xac: {  	_ =	task [dreg:s8], $0x5FFFF  }
0xad: {  	[dreg:$0x1] =	wrdreg $0xFFFFFFFF  }
0xae: {  	[dreg:$0x0] =	wrdreg $0x60  }
0xaf: {  	[dreg:$0x2] =	wrdreg s24  }
0xb0: {  	[dreg:$0x3] =	wrdreg s2  }
0xb1: {  	[dreg:$0x4] =	wrdreg s18  }
0xb2: {  	[dreg:$0x5] =	wrdreg $0x1C9000  }
0xb3: {  	[dreg:$0x6] =	wrdreg $0x9  }
0xb4: {  	_ =	task.clear_ibuf [dreg:s8], $0x7FFFF;
	_ =	strace $0x90000046  }
0xb5: {  	s29 =	simm.s32 $0x9;
	_ =	strace $0x80000048  }
0xb6: {  	_ =	swait.ge [sflag:s29], $0x1  }
0xb7: {  	[sflag:s29] =	ssyncadd.s32 $0xFFFFFFFF  }
0xb8: {  	_ =	strace $0x90000048  }
0xb9: {  	_ =	sfence  }
0xba: {  	s30 =	sld [smem:$0x0];
	_ =	sdelay $0x2  }
0xbb: {  	s31 =	sshll.u32 s1, $0xD;
	s1 =	sshrl.u32 s1, $0x2  }
0xbc: {  	s3 =	sand.u32 $0x4000, s31;
	s1 =	sadd.s32 s1, s30  }
0xbd: {  	s0 =	sor.u32 s3, s0;
	s1 =	sshll.u32 s1, $0x11  }
0xbe: {  	s0 =	sor.u32 s1, s0  }
0xbf: {  	s0 =	sadd.s32 $0x8F2B, s0  }
0xc0: {  	[sflag:s0] =	ssyncadd.remote.s32 $0x1  }
0xc1: {  	_ =	sfence.sel $0xFFFF  }
0xc2: {  	[dreg:$0x0] =	wrdreg $0xFFFFFFFF;
	(pc) =	sbr.abs _section_cstart, $3  }
0xc3: {  	[dreg:$0x1] =	wrdreg $0xFFFFFFFF  }
0xc4: {  	_ =	task.clear_ibuf [dreg:s8], $0x2FFFF;
	_ =	strace $0x9FFFFFFF  }
0xc5: {  	(tm) =	ssettm $0x7FFFFFFF  }
tec
execute0_lowered:
.L_overlay_start_1:
0x0: {  	(tag) =	ssettag $0x1  }
0x1: {  	s0 =	rddreg [dreg:$0x0]  }
0x2: {  	s1 =	rddreg [dreg:$0x1]  }
0x3: {  	s2 =	rddreg [dreg:$0x2]  }
0x4: {  	s3 =	rddreg [dreg:$0x3]  }
0x5: {  	s4 =	simm.s32 $0x0;
	s12 =	stileid.u32;
	s5 =	srdreg.scid  }
0x6: {  	s17 =	simm.s32 $0x6;
	s18 =	simm.s32 $0x3;
	s19 =	simm.s32 $0x800  }
0x7: {  	s20 =	simm.s32 $0x8000;
	s21 =	simm.s32 $0x18700;
	s22 =	simm.s32 $0x1A700  }
0x8: {  	s23 =	simm.s32 $0x1;
	s28 =	simm.s32 $0x5;
	s29 =	simm.s32 $0x1C780  }
0x9: {  	s30 =	simm.s32 $0x1C880;
	s31 =	simm.s32 $0x4;
	s5 =	sand.u32 $0x1, s5  }
0xa: {  	s6 =	sshll.u32 s12, $0x9;
	s7 =	sshrl.u32 s12, $0x1;
	[smem:$0x7FF] =	sst s4  }
0xb: {  	s10 =	sshll.u32 s12, $0x8;
	s24 =	sshll.u32 s12, $0xB;
	s26 =	sshll.u32 s12, $0x6  }
0xc: {  	s8 =	sshll.u32 s5, $0x8;
	s6 =	sand.u32 $0x200, s6;
	s9 =	smul.u32 $0xC3800, s7  }
0xd: {  	_ =	strace $0x80000047;
	s5 =	ssub.s32 $0x2, s5;
	s0 =	sadd.s32 s10, s0  }
0xe: {  	s7 =	sshll.u32 s7, $0xF;
	s6 =	sor.u32 s8, s6;
	s11 =	sshrl.u32 s5, $0x1  }
0xf: {  	s0 =	sadd.s32 $0x400, s0;
	s8 =	sor.u32 s9, s6;
	s5 =	ssub.s32 s5, s11  }
0x10: {  	[dreg:$0x6] =	wrdreg s0;
	s25 =	sor.u32 $0x80, s6;
	s0 =	sadd.s32 s24, s3  }
0x11: {  	s24 =	simm.s32 $0x1C700;
	s8 =	sshrl.u32 s8, $0x3;
	s9 =	sor.u32 s9, s25  }
0x12: {  	s10 =	sor.u32 s25, s7;
	s11 =	smax.u32 s5, $0x1;
	s14 =	sshrl.u32 s0, $0x3  }
0x13: {  	s25 =	simm.s32 $0x1C800;
	s0 =	simm.s32 $0x0;
	s8 =	sadd.s32 s1, s8  }
0x14: {  	s9 =	sshrl.u32 s9, $0x3;
	[dreg:$0x5] =	wrdreg s8;
	s8 =	sor.u32 $0x1C06, s26  }
0x15: {  	s1 =	sadd.s32 s1, s9;
	s9 =	simm.s32 $0x80;
	[dreg:$0x7] =	wrdreg s8  }
0x16: {  	s26 =	simm.s32 $0x2;
	s8 =	sor.u32 s6, s7;
	[dreg:$0x8] =	wrdreg s1  }
.LBB2_1:
0x17: {  	s1 =	rddreg [dreg:$0x5]  }
0x18: {  	s5 =	simm.s32 $0x400;
	s15 =	rddreg [dreg:$0x6]  }
0x19: {  	s16 =	rddreg [dreg:$0x7];
	s6 =	simm.s32 $0x10;
	s7 =	simm.s32 $0x1000  }
0x1a: {  	[tilespmem:s4], [sflag:$0x3] =	stream.strided.gather [hbm4b:s1+s9], $0x18700, s5, s9, $0x38;
	[tilespmem:$0x1E900] =	vst v63  }
0x1b: {  	[spmem:s14@s7], [sflag:s16] =	dma.strided [hbm:s15@s7], $0x400, s6, $0x10   }
0x1c: {  	_ =	swait.ge [sflag:s17], $0x400  }
0x1d: {  	[sflag:s17] =	ssyncset.done $0x0  }
0x1e: {  	[sflag:s17] =	ssyncadd.s32 $0xFFFFFC00  }
0x1f: {  	[bflag:$0x0] =	sbarrier.arrive $0xFFFF  }
0x20: {  	_ =	swait.ge [sflag:s18], $0x18700  }
0x21: {  	[sflag:s18] =	ssyncset.done $0x0  }
0x22: {  	s1 =	simm.s32 $0x0;
	[sflag:s18] =	ssyncadd.s32 $0xFFFE7900  }
0x23: {  	[tilespmem:s21], [sflag:$0x1] =	stream.strided.gather [spmem:s3], $0x2000, s20, s19, $0x38;
	[tilespmem:$0x1E900] =	vst v63  }
.LBB2_2:
0x24: {  	s5 =	sshllo.u32 s1, $0x1  }
0x25: {  	s15 =	sshll.u32 s5, $0xB  }
0x26: {  	s5 =	sand.u32 $0x3FFFF800, s15  }
0x27: {  	s5 =	sadd.s32 s5, s3  }
0x28: {  	[tilespmem:s22], [sflag:$0x2] =	stream.strided.gather [spmem:s5], $0x2000, s20, s19, $0x38;
	[tilespmem:$0x1E900] =	vst v63  }
0x29: {  	_ =	swait.ge [sflag:s23], $0x2000  }
0x2a: {  	p0 =	seq.s32 s1, $0x0;
	[sflag:s23] =	ssyncset.done $0x0  }
0x2b: {  	s5 =	simm.s32 @!p0 $0x5;
	[sflag:s23] =	ssyncadd.s32 $0xFFFFE000  }
0x2c: {  	s16 =	simm.s32 $0x0;
	_ =	swait.ge @!p0 [sflag:s5], $0x100  }
0x2d: {  	s12 =	sand.u32 $0x70, s16;
	s13 =	sand.u32 $0x400, s16;
	[sflag:s5] =	ssyncset.done @!p0 $0x0  }
0x2e: {  	s6 =	sor.u32 s12, s13;
	[sflag:s5] =	ssyncadd.s32 @!p0 $0xFFFFFF00  }
0x2f: {  	v1 =	vld [tilespmem:s6+$0x19F00]  }
0x30: {  	v0 =	vld [tilespmem:s6+$0x19F80]  }
0x31: {  	s7 =	sadd.s32 $0x18700, s6;
	v2 =	vld [tilespmem:s6+$0x18700]  }
0x32: {  	v3 =	vld [tilespmem:s7+$0x80]  }
0x33: {  	v4 =	vld [tilespmem:s7+$0x100]  }
0x34: {  	v5 =	vld [tilespmem:s7+$0x180]  }
0x35: {  	v7 =	vld [tilespmem:s7+$0x200]  }
0x36: {  	v8 =	vld [tilespmem:s7+$0x280]  }
0x37: {  	v9 =	vld [tilespmem:s7+$0x300]  }
0x38: {  	v10 =	vld [tilespmem:s7+$0x380]  }
0x39: {  	v11 =	vld [tilespmem:s6+$0x18F80]  }
0x3a: {  	v12 =	vld [tilespmem:s6+$0x19000]  }
0x3b: {  	v13 =	vld [tilespmem:s6+$0x19080]  }
0x3c: {  	v15 =	vld [tilespmem:s6+$0x19100]  }
0x3d: {  	v16 =	vld [tilespmem:s6+$0x19180]  }
0x3e: {  	v17 =	vld [tilespmem:s6+$0x19200]  }
0x3f: {  	v18 =	vld [tilespmem:s6+$0x19280]  }
0x40: {  	v19 =	vld [tilespmem:s6+$0x19780]  }
0x41: {  	v20 =	vld [tilespmem:s6+$0x19800]  }
0x42: {  	v21 =	vld [tilespmem:s6+$0x19880]  }
0x43: {  	v22 =	vld [tilespmem:s6+$0x19900]  }
0x44: {  	v2 =	vld.idx.msk [tilespmem:v2+s4+$0x0], $0xffff  }
0x45: {  	v3 =	vld.idx.msk [tilespmem:v3+s4+$0x0], $0xffff  }
0x46: {  	v6 =	vld.idx.msk [tilespmem:v5+s4+$0x0], $0xffff  }
0x47: {  	v5 =	vld.idx.msk [tilespmem:v7+s4+$0x0], $0xffff  }
0x48: {  	v7 =	vld.idx.msk [tilespmem:v8+s4+$0x0], $0xffff  }
0x49: {  	v8 =	vld.idx.msk [tilespmem:v9+s4+$0x0], $0xffff  }
0x4a: {  	v9 =	vld.idx.msk [tilespmem:v10+s4+$0x0], $0xffff  }
0x4b: {  	v10 =	vld [tilespmem:s6+$0x18F00]  }
0x4c: {  	v14 =	vld.idx.msk [tilespmem:v13+s4+$0x0], $0xffff  }
0x4d: {  	v13 =	vld.idx.msk [tilespmem:v15+s4+$0x0], $0xffff  }
0x4e: {  	v15 =	vld.idx.msk [tilespmem:v16+s4+$0x0], $0xffff  }
0x4f: {  	v16 =	vld.idx.msk [tilespmem:v17+s4+$0x0], $0xffff  }
0x50: {  	v17 =	vld.idx.msk [tilespmem:v18+s4+$0x0], $0xffff  }
0x51: {  	v18 =	vld [tilespmem:s6+$0x19700]  }
0x52: {  	v4 =	vld.idx.msk [tilespmem:v4+s4+$0x0], $0xffff  }
0x53: {  	v11 =	vld.idx.msk [tilespmem:v11+s4+$0x0], $0xffff  }
0x54: {  	v12 =	vld.idx.msk [tilespmem:v12+s4+$0x0], $0xffff  }
0x55: {  	s5 =	simm.s32 $0x80;
	v10 =	vld.idx.msk [tilespmem:v10+s4+$0x0], $0xffff  }
.LBB2_3:
0x56: {  	p1 =	sne.s32 s5, $0x780;
	v23 =	vld [tilespmem:s6+$0x19980]  }
0x57: {  	v24 =	vld [tilespmem:s6+$0x19A00]  }
0x58: {  	v25 =	vld [tilespmem:s6+$0x19A80]  }
0x59: {  	v18 =	vld.idx.msk [tilespmem:v18+s4+$0x0], $0xffff  }
0x5a: {  	v19 =	vld.idx.msk [tilespmem:v19+s4+$0x0], $0xffff  }
0x5b: {  	v20 =	vld.idx.msk [tilespmem:v20+s4+$0x0], $0xffff  }
0x5c: {  	v21 =	vld.idx.msk [tilespmem:v21+s4+$0x0], $0xffff  }
0x5d: {  	v22 =	vld.idx.msk [tilespmem:v22+s4+$0x0], $0xffff  }
0x5e: {  	v23 =	vld.idx.msk [tilespmem:v23+s4+$0x0], $0xffff  }
0x5f: {  	v2 =	vadd.f32 v3, v2;
	v3 =	vadd.f32 v6, v4;
	v24 =	vld.idx.msk [tilespmem:v24+s4+$0x0], $0xffff  }
0x60: {  	v5 =	vadd.f32 v7, v5;
	v6 =	vadd.f32 v9, v8;
	v4 =	vld.idx.msk [tilespmem:v25+s4+$0x0], $0xffff;
	_ =	sdelay $0x1  }
0x61: {  	v2 =	vadd.f32 v3, v2;
	v3 =	vadd.f32 v6, v5;
	v1 =	vld.idx.msk [tilespmem:v1+s4+$0x0], $0xffff  }
0x62: {  	v5 =	vadd.f32 v11, v10;
	v6 =	vadd.f32 v14, v12;
	v0 =	vld.idx.msk [tilespmem:v0+s4+$0x0], $0xffff  }
0x63: {  	v7 =	vadd.f32 v15, v13;
	v8 =	vadd.f32 v17, v16  }
0x64: {  	v9 =	vadd.f32 v19, v18;
	v10 =	vadd.f32 v21, v20  }
0x65: {  	v11 =	vadd.f32 v23, v22;
	v4 =	vadd.f32 v4, v24  }
0x66: {  	v5 =	vadd.f32 v6, v5;
	v6 =	vadd.f32 v8, v7  }
0x67: {  	v7 =	vadd.f32 v10, v9;
	v4 =	vadd.f32 v4, v11  }
0x68: {  	v0 =	vadd.f32 v0, v1;
	v1 =	vadd.f32 v3, v2  }
0x69: {  	v2 =	vadd.f32 v6, v5;
	v3 =	vadd.f32 v4, v7;
	_ =	sdelay $0x1  }
0x6a: {  	v1 =	vadd.f32 v2, v1;
	v0 =	vadd.f32 v0, v3;
	_ =	sdelay $0x1  }
0x6b: {  	s16 =	sadd.s32 $0x10, s16;
	s6 =	sshrl.u32 s13, $0x2;
	v0 =	vadd.f32 v0, v1  }
0x6c: {  	s13 =	sand.u32 $0x400, s5;
	s7 =	sor.u32 s12, s6;
	s12 =	sand.u32 $0x70, s16  }
0x6d: {  	s6 =	sor.u32 s12, s13;
	[tilespmem:s7+$0x1C700] =	vst v0  }
0x6e: {  	v1 =	vld [tilespmem:s6+$0x19F00]  }
0x6f: {  	v0 =	vld [tilespmem:s6+$0x19F80]  }
0x70: {  	s7 =	sadd.s32 $0x18700, s6;
	v2 =	vld [tilespmem:s6+$0x18700]  }
0x71: {  	v3 =	vld [tilespmem:s7+$0x80]  }
0x72: {  	v4 =	vld [tilespmem:s7+$0x100]  }
0x73: {  	v5 =	vld [tilespmem:s7+$0x180]  }
0x74: {  	v7 =	vld [tilespmem:s7+$0x200]  }
0x75: {  	v8 =	vld [tilespmem:s7+$0x280]  }
0x76: {  	v9 =	vld [tilespmem:s7+$0x300]  }
0x77: {  	v10 =	vld [tilespmem:s7+$0x380]  }
0x78: {  	v2 =	vld.idx.msk [tilespmem:v2+s4+$0x0], $0xffff  }
0x79: {  	v3 =	vld.idx.msk [tilespmem:v3+s4+$0x0], $0xffff  }
0x7a: {  	v4 =	vld.idx.msk [tilespmem:v4+s4+$0x0], $0xffff  }
0x7b: {  	v6 =	vld.idx.msk [tilespmem:v5+s4+$0x0], $0xffff  }
0x7c: {  	v5 =	vld.idx.msk [tilespmem:v7+s4+$0x0], $0xffff  }
0x7d: {  	v7 =	vld.idx.msk [tilespmem:v8+s4+$0x0], $0xffff  }
0x7e: {  	v8 =	vld.idx.msk [tilespmem:v9+s4+$0x0], $0xffff  }
0x7f: {  	v9 =	vld.idx.msk [tilespmem:v10+s4+$0x0], $0xffff  }
0x80: {  	v10 =	vld [tilespmem:s6+$0x18F00]  }
0x81: {  	v11 =	vld [tilespmem:s6+$0x18F80]  }
0x82: {  	v12 =	vld [tilespmem:s6+$0x19000]  }
0x83: {  	v13 =	vld [tilespmem:s6+$0x19080]  }
0x84: {  	v15 =	vld [tilespmem:s6+$0x19100]  }
0x85: {  	v16 =	vld [tilespmem:s6+$0x19180]  }
0x86: {  	v17 =	vld [tilespmem:s6+$0x19200]  }
0x87: {  	v18 =	vld [tilespmem:s6+$0x19280]  }
0x88: {  	v10 =	vld.idx.msk [tilespmem:v10+s4+$0x0], $0xffff  }
0x89: {  	v11 =	vld.idx.msk [tilespmem:v11+s4+$0x0], $0xffff  }
0x8a: {  	v12 =	vld.idx.msk [tilespmem:v12+s4+$0x0], $0xffff  }
0x8b: {  	v14 =	vld.idx.msk [tilespmem:v13+s4+$0x0], $0xffff  }
0x8c: {  	v13 =	vld.idx.msk [tilespmem:v15+s4+$0x0], $0xffff  }
0x8d: {  	v15 =	vld.idx.msk [tilespmem:v16+s4+$0x0], $0xffff  }
0x8e: {  	v16 =	vld.idx.msk [tilespmem:v17+s4+$0x0], $0xffff  }
0x8f: {  	v17 =	vld.idx.msk [tilespmem:v18+s4+$0x0], $0xffff  }
.Ltmp0:
0x90: {  	v18 =	vld [tilespmem:s6+$0x19700];
	(pc) =	sbr.rel @p1 .LBB2_3-.Ltmp0, $4  }
0x91: {  	v19 =	vld [tilespmem:s6+$0x19780]  }
0x92: {  	v20 =	vld [tilespmem:s6+$0x19800]  }
0x93: {  	v21 =	vld [tilespmem:s6+$0x19880]  }
0x94: {  	s5 =	sadd.s32 $0x80, s5;
	v22 =	vld [tilespmem:s6+$0x19900]  }
0x95: {  	_ = 	snop  }
0x96: {  	v23 =	vld [tilespmem:s6+$0x19980]  }
0x97: {  	v24 =	vld [tilespmem:s6+$0x19A00]  }
0x98: {  	v25 =	vld [tilespmem:s6+$0x19A80]  }
0x99: {  	v18 =	vld.idx.msk [tilespmem:v18+s4+$0x0], $0xffff  }
0x9a: {  	v19 =	vld.idx.msk [tilespmem:v19+s4+$0x0], $0xffff  }
0x9b: {  	v20 =	vld.idx.msk [tilespmem:v20+s4+$0x0], $0xffff  }
0x9c: {  	v21 =	vld.idx.msk [tilespmem:v21+s4+$0x0], $0xffff  }
0x9d: {  	v22 =	vld.idx.msk [tilespmem:v22+s4+$0x0], $0xffff  }
0x9e: {  	v23 =	vld.idx.msk [tilespmem:v23+s4+$0x0], $0xffff  }
0x9f: {  	v2 =	vadd.f32 v3, v2;
	v47 =	vadd.f32 v6, v4;
	v48 =	vld.idx.msk [tilespmem:v24+s4+$0x0], $0xffff  }
0xa0: {  	v5 =	vadd.f32 v7, v5;
	v49 =	vadd.f32 v9, v8;
	v50 =	vld.idx.msk [tilespmem:v25+s4+$0x0], $0xffff  }
0xa1: {  	v52 =	vadd.f32 v11, v10;
	v53 =	vadd.f32 v14, v12  }
0xa2: {  	v54 =	vadd.f32 v15, v13;
	v55 =	vadd.f32 v17, v16  }
0xa3: {  	v1 =	vld.idx.msk [tilespmem:v1+s4+$0x0], $0xffff;
	v2 =	vadd.f32 v47, v2;
	v51 =	vadd.f32 v49, v5  }
0xa4: {  	v0 =	vld.idx.msk [tilespmem:v0+s4+$0x0], $0xffff;
	v56 =	vadd.f32 v19, v18;
	v57 =	vadd.f32 v21, v20  }
0xa5: {  	v58 =	vadd.f32 v23, v22;
	v4 =	vadd.f32 v50, v48  }
0xa6: {  	v5 =	vadd.f32 v53, v52;
	v59 =	vadd.f32 v55, v54  }
0xa7: {  	v60 =	vadd.f32 v57, v56;
	v4 =	vadd.f32 v4, v58  }
0xa8: {  	v61 =	vadd.f32 v51, v2;
	v62 =	vadd.f32 v59, v5  }
0xa9: {  	v0 =	vadd.f32 v0, v1;
	v63 =	vadd.f32 v4, v60;
	_ =	sdelay $0x1  }
0xaa: {  	v1 =	vadd.f32 v62, v61;
	v0 =	vadd.f32 v0, v63  }
0xab: {  	s5 =	sshll.u32 s1, $0xC  }
0xac: {  	s13 =	sshrl.u32 s13, $0x2;
	p1 =	sne.s32 s1, $0x7;
	s7 =	sadd.s32 s8, s5;
	v0 =	vadd.f32 v0, v1  }
.Ltmp1:
0xad: {  	s6 =	sor.u32 s12, s13;
	s7 =	sshrl.u32 s7, $0x3;
	(pc) =	sbr.rel @p1 .LBB2_6-.Ltmp1, $4  }
0xae: {  	s16 =	sadd.s32 s2, s7;
	[tilespmem:s6+$0x1C700] =	vst v0  }
0xaf: {  	[hbm4b:s16+s4] =	stream.linear.scatter [tilespmem:s24], [sflag:$0x5], $0x80, $0x38;
	[tilespmem:$0x1E900] =	vst v63  }
0xb0: {  	s6 =	sadd.s32 $0x80, s16  }
0xb1: {  	[hbm4b:s6+s4] =	stream.linear.scatter [tilespmem:s25], [sflag:$0x5], $0x80, $0x38;
	[tilespmem:$0x1E900] =	vst v63  }
.Ltmp2:
0xb2: {  	(pc) =	sbr.rel .LBB2_7-.Ltmp2, $4  }
0xb3: {  	_ = 	snop  }
0xb4: {  	_ =	swait.ge [sflag:s26], $0x2000  }
0xb5: {  	[sflag:s26] =	ssyncset.done $0x0  }
0xb6: {  	[sflag:s26] =	ssyncadd.s32 $0xFFFFE000  }
.LBB2_6:
0xb7: {  	s5 =	sand.u32 $0x3FFFF000, s5  }
0xb8: {  	s5 =	sadd.s32 s5, s3  }
.Ltmp3:
0xb9: {  	s5 =	sadd.s32 $0x1000, s5;
	(pc) =	sbr.rel @p0 .LBB2_8-.Ltmp3, $4  }
0xba: {  	[tilespmem:s21], [sflag:$0x1] =	stream.strided.gather [spmem:s5], $0x2000, s20, s19, $0x38;
	[tilespmem:$0x1E900] =	vst v63  }
0xbb: {  	_ =	swait.ge [sflag:s26], $0x2000  }
0xbc: {  	[sflag:s26] =	ssyncset.done $0x0  }
0xbd: {  	[sflag:s26] =	ssyncadd.s32 $0xFFFFE000  }
.LBB2_7:
0xbe: {  	_ =	swait.ge [sflag:s28], $0x100  }
0xbf: {  	[sflag:s28] =	ssyncset.done $0x0  }
0xc0: {  	[sflag:s28] =	ssyncadd.s32 $0xFFFFFF00  }
.LBB2_8:
0xc1: {  	s16 =	simm.s32 $0x0  }
0xc2: {  	s12 =	sand.u32 $0x70, s16;
	s13 =	sand.u32 $0x400, s16  }
0xc3: {  	s6 =	sor.u32 s12, s13  }
0xc4: {  	v1 =	vld [tilespmem:s6+$0x1BF00]  }
0xc5: {  	v0 =	vld [tilespmem:s6+$0x1BF80]  }
0xc6: {  	v2 =	vld [tilespmem:s6+$0x1A700]  }
0xc7: {  	v3 =	vld [tilespmem:s6+$0x1A780]  }
0xc8: {  	v4 =	vld [tilespmem:s6+$0x1A800]  }
0xc9: {  	v5 =	vld [tilespmem:s6+$0x1A880]  }
0xca: {  	v7 =	vld [tilespmem:s6+$0x1A900]  }
0xcb: {  	v8 =	vld [tilespmem:s6+$0x1A980]  }
0xcc: {  	v9 =	vld [tilespmem:s6+$0x1AA00]  }
0xcd: {  	v10 =	vld [tilespmem:s6+$0x1AA80]  }
0xce: {  	v11 =	vld [tilespmem:s6+$0x1AF80]  }
0xcf: {  	v12 =	vld [tilespmem:s6+$0x1B000]  }
0xd0: {  	v13 =	vld [tilespmem:s6+$0x1B080]  }
0xd1: {  	v15 =	vld [tilespmem:s6+$0x1B100]  }
0xd2: {  	v16 =	vld [tilespmem:s6+$0x1B180]  }
0xd3: {  	v17 =	vld [tilespmem:s6+$0x1B200]  }
0xd4: {  	v18 =	vld [tilespmem:s6+$0x1B280]  }
0xd5: {  	v19 =	vld [tilespmem:s6+$0x1B780]  }
0xd6: {  	v20 =	vld [tilespmem:s6+$0x1B800]  }
0xd7: {  	v21 =	vld [tilespmem:s6+$0x1B880]  }
0xd8: {  	v22 =	vld [tilespmem:s6+$0x1B900]  }
0xd9: {  	v23 =	vld [tilespmem:s6+$0x1B980]  }
0xda: {  	v2 =	vld.idx.msk [tilespmem:v2+s4+$0x0], $0xffff  }
0xdb: {  	v6 =	vld.idx.msk [tilespmem:v5+s4+$0x0], $0xffff  }
0xdc: {  	v5 =	vld.idx.msk [tilespmem:v7+s4+$0x0], $0xffff  }
0xdd: {  	v7 =	vld.idx.msk [tilespmem:v8+s4+$0x0], $0xffff  }
0xde: {  	v8 =	vld.idx.msk [tilespmem:v9+s4+$0x0], $0xffff  }
0xdf: {  	v9 =	vld.idx.msk [tilespmem:v10+s4+$0x0], $0xffff  }
0xe0: {  	v10 =	vld [tilespmem:s6+$0x1AF00]  }
0xe1: {  	v14 =	vld.idx.msk [tilespmem:v13+s4+$0x0], $0xffff  }
0xe2: {  	v13 =	vld.idx.msk [tilespmem:v15+s4+$0x0], $0xffff  }
0xe3: {  	v15 =	vld.idx.msk [tilespmem:v16+s4+$0x0], $0xffff  }
0xe4: {  	v16 =	vld.idx.msk [tilespmem:v17+s4+$0x0], $0xffff  }
0xe5: {  	v17 =	vld.idx.msk [tilespmem:v18+s4+$0x0], $0xffff  }
0xe6: {  	v18 =	vld [tilespmem:s6+$0x1B700]  }
0xe7: {  	v3 =	vld.idx.msk [tilespmem:v3+s4+$0x0], $0xffff  }
0xe8: {  	v4 =	vld.idx.msk [tilespmem:v4+s4+$0x0], $0xffff  }
0xe9: {  	v11 =	vld.idx.msk [tilespmem:v11+s4+$0x0], $0xffff  }
0xea: {  	v12 =	vld.idx.msk [tilespmem:v12+s4+$0x0], $0xffff  }
0xeb: {  	s5 =	simm.s32 $0x80;
	v10 =	vld.idx.msk [tilespmem:v10+s4+$0x0], $0xffff  }
.LBB2_9:
0xec: {  	p0 =	sne.s32 s5, $0x780;
	v24 =	vld [tilespmem:s6+$0x1BA00]  }
0xed: {  	v25 =	vld [tilespmem:s6+$0x1BA80]  }
0xee: {  	v18 =	vld.idx.msk [tilespmem:v18+s4+$0x0], $0xffff  }
0xef: {  	v19 =	vld.idx.msk [tilespmem:v19+s4+$0x0], $0xffff  }
0xf0: {  	v20 =	vld.idx.msk [tilespmem:v20+s4+$0x0], $0xffff  }
0xf1: {  	v21 =	vld.idx.msk [tilespmem:v21+s4+$0x0], $0xffff  }
0xf2: {  	v22 =	vld.idx.msk [tilespmem:v22+s4+$0x0], $0xffff  }
0xf3: {  	v23 =	vld.idx.msk [tilespmem:v23+s4+$0x0], $0xffff  }
0xf4: {  	v2 =	vadd.f32 v3, v2;
	v3 =	vadd.f32 v6, v4;
	v24 =	vld.idx.msk [tilespmem:v24+s4+$0x0], $0xffff  }
0xf5: {  	v5 =	vadd.f32 v7, v5;
	v6 =	vadd.f32 v9, v8;
	v4 =	vld.idx.msk [tilespmem:v25+s4+$0x0], $0xffff;
	_ =	sdelay $0x1  }
0xf6: {  	v2 =	vadd.f32 v3, v2;
	v3 =	vadd.f32 v6, v5;
	v1 =	vld.idx.msk [tilespmem:v1+s4+$0x0], $0xffff  }
0xf7: {  	v5 =	vadd.f32 v11, v10;
	v6 =	vadd.f32 v14, v12;
	v0 =	vld.idx.msk [tilespmem:v0+s4+$0x0], $0xffff  }
0xf8: {  	v7 =	vadd.f32 v15, v13;
	v8 =	vadd.f32 v17, v16  }
0xf9: {  	v9 =	vadd.f32 v19, v18;
	v10 =	vadd.f32 v21, v20  }
0xfa: {  	v11 =	vadd.f32 v23, v22;
	v4 =	vadd.f32 v4, v24  }
0xfb: {  	v5 =	vadd.f32 v6, v5;
	v6 =	vadd.f32 v8, v7  }
0xfc: {  	v7 =	vadd.f32 v10, v9;
	v4 =	vadd.f32 v4, v11  }
0xfd: {  	v0 =	vadd.f32 v0, v1;
	v1 =	vadd.f32 v3, v2  }
0xfe: {  	v2 =	vadd.f32 v6, v5;
	v3 =	vadd.f32 v4, v7;
	_ =	sdelay $0x1  }
0xff: {  	v1 =	vadd.f32 v2, v1;
	v0 =	vadd.f32 v0, v3;
	_ =	sdelay $0x1  }
0x100: {  	s16 =	sadd.s32 $0x10, s16;
	s6 =	sshrl.u32 s13, $0x2;
	v0 =	vadd.f32 v0, v1  }
0x101: {  	s13 =	sand.u32 $0x400, s5;
	s7 =	sor.u32 s12, s6;
	s12 =	sand.u32 $0x70, s16  }
0x102: {  	s6 =	sor.u32 s12, s13;
	[tilespmem:s7+$0x1C780] =	vst v0  }
0x103: {  	v1 =	vld [tilespmem:s6+$0x1BF00]  }
0x104: {  	v0 =	vld [tilespmem:s6+$0x1BF80]  }
0x105: {  	v2 =	vld [tilespmem:s6+$0x1A700]  }
0x106: {  	v3 =	vld [tilespmem:s6+$0x1A780]  }
0x107: {  	v4 =	vld [tilespmem:s6+$0x1A800]  }
0x108: {  	v5 =	vld [tilespmem:s6+$0x1A880]  }
0x109: {  	v7 =	vld [tilespmem:s6+$0x1A900]  }
0x10a: {  	v8 =	vld [tilespmem:s6+$0x1A980]  }
0x10b: {  	v9 =	vld [tilespmem:s6+$0x1AA00]  }
0x10c: {  	v10 =	vld [tilespmem:s6+$0x1AA80]  }
0x10d: {  	v2 =	vld.idx.msk [tilespmem:v2+s4+$0x0], $0xffff  }
0x10e: {  	v3 =	vld.idx.msk [tilespmem:v3+s4+$0x0], $0xffff  }
0x10f: {  	v4 =	vld.idx.msk [tilespmem:v4+s4+$0x0], $0xffff  }
0x110: {  	v6 =	vld.idx.msk [tilespmem:v5+s4+$0x0], $0xffff  }
0x111: {  	v5 =	vld.idx.msk [tilespmem:v7+s4+$0x0], $0xffff  }
0x112: {  	v7 =	vld.idx.msk [tilespmem:v8+s4+$0x0], $0xffff  }
0x113: {  	v8 =	vld.idx.msk [tilespmem:v9+s4+$0x0], $0xffff  }
0x114: {  	v9 =	vld.idx.msk [tilespmem:v10+s4+$0x0], $0xffff  }
0x115: {  	v10 =	vld [tilespmem:s6+$0x1AF00]  }
0x116: {  	v11 =	vld [tilespmem:s6+$0x1AF80]  }
0x117: {  	v12 =	vld [tilespmem:s6+$0x1B000]  }
0x118: {  	v13 =	vld [tilespmem:s6+$0x1B080]  }
0x119: {  	v15 =	vld [tilespmem:s6+$0x1B100]  }
0x11a: {  	v16 =	vld [tilespmem:s6+$0x1B180]  }
0x11b: {  	v17 =	vld [tilespmem:s6+$0x1B200]  }
0x11c: {  	v18 =	vld [tilespmem:s6+$0x1B280]  }
0x11d: {  	v10 =	vld.idx.msk [tilespmem:v10+s4+$0x0], $0xffff  }
0x11e: {  	v11 =	vld.idx.msk [tilespmem:v11+s4+$0x0], $0xffff  }
0x11f: {  	v12 =	vld.idx.msk [tilespmem:v12+s4+$0x0], $0xffff  }
0x120: {  	v14 =	vld.idx.msk [tilespmem:v13+s4+$0x0], $0xffff  }
0x121: {  	v13 =	vld.idx.msk [tilespmem:v15+s4+$0x0], $0xffff  }
0x122: {  	v15 =	vld.idx.msk [tilespmem:v16+s4+$0x0], $0xffff  }
0x123: {  	v16 =	vld.idx.msk [tilespmem:v17+s4+$0x0], $0xffff  }
0x124: {  	v17 =	vld.idx.msk [tilespmem:v18+s4+$0x0], $0xffff  }
0x125: {  	v18 =	vld [tilespmem:s6+$0x1B700]  }
.Ltmp4:
0x126: {  	v19 =	vld [tilespmem:s6+$0x1B780];
	(pc) =	sbr.rel @p0 .LBB2_9-.Ltmp4, $4  }
0x127: {  	v20 =	vld [tilespmem:s6+$0x1B800]  }
0x128: {  	v21 =	vld [tilespmem:s6+$0x1B880]  }
0x129: {  	v22 =	vld [tilespmem:s6+$0x1B900]  }
0x12a: {  	s5 =	sadd.s32 $0x80, s5;
	v23 =	vld [tilespmem:s6+$0x1B980]  }
0x12b: {  	_ =	sdelay $0x1  }
0x12c: {  	v24 =	vld [tilespmem:s6+$0x1BA00]  }
0x12d: {  	v25 =	vld [tilespmem:s6+$0x1BA80]  }
0x12e: {  	v18 =	vld.idx.msk [tilespmem:v18+s4+$0x0], $0xffff  }
0x12f: {  	v19 =	vld.idx.msk [tilespmem:v19+s4+$0x0], $0xffff  }
0x130: {  	v20 =	vld.idx.msk [tilespmem:v20+s4+$0x0], $0xffff  }
0x131: {  	v21 =	vld.idx.msk [tilespmem:v21+s4+$0x0], $0xffff  }
0x132: {  	v22 =	vld.idx.msk [tilespmem:v22+s4+$0x0], $0xffff  }
0x133: {  	v23 =	vld.idx.msk [tilespmem:v23+s4+$0x0], $0xffff  }
0x134: {  	v2 =	vadd.f32 v3, v2;
	v47 =	vadd.f32 v6, v4;
	v48 =	vld.idx.msk [tilespmem:v24+s4+$0x0], $0xffff  }
0x135: {  	v5 =	vadd.f32 v7, v5;
	v49 =	vadd.f32 v9, v8;
	v50 =	vld.idx.msk [tilespmem:v25+s4+$0x0], $0xffff  }
0x136: {  	v52 =	vadd.f32 v11, v10;
	v53 =	vadd.f32 v14, v12  }
0x137: {  	v54 =	vadd.f32 v15, v13;
	v55 =	vadd.f32 v17, v16  }
0x138: {  	v1 =	vld.idx.msk [tilespmem:v1+s4+$0x0], $0xffff;
	v2 =	vadd.f32 v47, v2;
	v51 =	vadd.f32 v49, v5  }
0x139: {  	v0 =	vld.idx.msk [tilespmem:v0+s4+$0x0], $0xffff;
	v56 =	vadd.f32 v19, v18;
	v57 =	vadd.f32 v21, v20  }
0x13a: {  	v58 =	vadd.f32 v23, v22;
	v4 =	vadd.f32 v50, v48  }
0x13b: {  	v5 =	vadd.f32 v53, v52;
	v59 =	vadd.f32 v55, v54  }
0x13c: {  	v60 =	vadd.f32 v57, v56;
	v4 =	vadd.f32 v4, v58  }
0x13d: {  	v61 =	vadd.f32 v51, v2;
	v62 =	vadd.f32 v59, v5  }
0x13e: {  	v0 =	vadd.f32 v0, v1;
	v63 =	vadd.f32 v4, v60;
	_ =	sdelay $0x1  }
0x13f: {  	v1 =	vadd.f32 v62, v61;
	v0 =	vadd.f32 v0, v63  }
0x140: {  	s1 =	sadd.s32 $0x1, s1  }
0x141: {  	s5 =	sshrl.u32 s13, $0x2;
	s15 =	sadd.s32 s8, s15;
	p0 =	sne.s32 s1, $0x8;
	v0 =	vadd.f32 v0, v1  }
.Ltmp5:
0x142: {  	s5 =	sor.u32 s12, s5;
	s6 =	sshrl.u32 s15, $0x3;
	(pc) =	sbr.rel @p0 .LBB2_2-.Ltmp5, $4  }
0x143: {  	s16 =	sadd.s32 s2, s6;
	[tilespmem:s5+$0x1C780] =	vst v0  }
0x144: {  	[hbm4b:s16+s4] =	stream.linear.scatter [tilespmem:s29], [sflag:$0x5], $0x80, $0x38;
	[tilespmem:$0x1E900] =	vst v63  }
0x145: {  	s5 =	sadd.s32 $0x80, s16  }
0x146: {  	[hbm4b:s5+s4] =	stream.linear.scatter [tilespmem:s30], [sflag:$0x5], $0x80, $0x38;
	[tilespmem:$0x1E900] =	vst v63  }
0x147: {  	_ =	swait.ge [sflag:s28], $0x100  }
0x148: {  	[sflag:s28] =	ssyncset.done $0x0  }
0x149: {  	[sflag:s28] =	ssyncadd.s32 $0xFFFFFF00  }
0x14a: {  	_ =	swait.ge [sflag:s28], $0x100  }
0x14b: {  	s1 =	simm.s32 $0x0;
	[sflag:s28] =	ssyncset.done $0x0  }
0x14c: {  	s6 =	simm.s32 $0x400;
	s5 =	rddreg [dreg:$0x8];
	[sflag:s28] =	ssyncadd.s32 $0xFFFFFF00  }
0x14d: {  	[tilespmem:s1], [sflag:$0x4] =	stream.strided.gather [hbm4b:s5+s9], $0x18700, s6, s9, $0x38;
	[tilespmem:$0x1E900] =	vst v63  }
0x14e: {  	_ =	swait.ge [sflag:s31], $0x18700  }
0x14f: {  	[sflag:s31] =	ssyncset.done $0x0  }
0x150: {  	s15 =	simm.s32 $0x0;
	[sflag:s31] =	ssyncadd.s32 $0xFFFE7900  }
0x151: {  	[tilespmem:s21], [sflag:$0x1] =	stream.strided.gather [spmem:s3], $0x2000, s20, s19, $0x38;
	[tilespmem:$0x1E900] =	vst v63  }
.LBB2_12:
0x152: {  	s5 =	sshllo.u32 s15, $0x1  }
0x153: {  	s16 =	sshll.u32 s5, $0xB  }
0x154: {  	s5 =	sand.u32 $0x3FFFF800, s16  }
0x155: {  	s5 =	sadd.s32 s5, s3  }
0x156: {  	[tilespmem:s22], [sflag:$0x2] =	stream.strided.gather [spmem:s5], $0x2000, s20, s19, $0x38;
	[tilespmem:$0x1E900] =	vst v63  }
0x157: {  	_ =	swait.ge [sflag:s23], $0x2000  }
0x158: {  	p0 =	seq.s32 s15, $0x0;
	[sflag:s23] =	ssyncset.done $0x0  }
0x159: {  	s5 =	simm.s32 @!p0 $0x5;
	[sflag:s23] =	ssyncadd.s32 $0xFFFFE000  }
0x15a: {  	_ =	swait.ge @!p0 [sflag:s5], $0x100  }
0x15b: {  	s12 =	sand.u32 $0x70, s1;
	s13 =	sand.u32 $0x400, s1;
	[sflag:s5] =	ssyncset.done @!p0 $0x0  }
0x15c: {  	s7 =	sor.u32 s12, s13;
	[sflag:s5] =	ssyncadd.s32 @!p0 $0xFFFFFF00  }
0x15d: {  	v1 =	vld [tilespmem:s7+$0x19F00]  }
0x15e: {  	v0 =	vld [tilespmem:s7+$0x19F80]  }
0x15f: {  	s9 =	sadd.s32 $0x18700, s7;
	v2 =	vld [tilespmem:s7+$0x18700]  }
0x160: {  	v3 =	vld [tilespmem:s9+$0x80]  }
0x161: {  	v4 =	vld [tilespmem:s9+$0x100]  }
0x162: {  	v5 =	vld [tilespmem:s9+$0x180]  }
0x163: {  	v7 =	vld [tilespmem:s9+$0x200]  }
0x164: {  	v8 =	vld [tilespmem:s9+$0x280]  }
0x165: {  	v9 =	vld [tilespmem:s9+$0x300]  }
0x166: {  	v10 =	vld [tilespmem:s9+$0x380]  }
0x167: {  	v11 =	vld [tilespmem:s7+$0x18F80]  }
0x168: {  	v12 =	vld [tilespmem:s7+$0x19000]  }
0x169: {  	v13 =	vld [tilespmem:s7+$0x19080]  }
0x16a: {  	v15 =	vld [tilespmem:s7+$0x19100]  }
0x16b: {  	v16 =	vld [tilespmem:s7+$0x19180]  }
0x16c: {  	v17 =	vld [tilespmem:s7+$0x19200]  }
0x16d: {  	v18 =	vld [tilespmem:s7+$0x19280]  }
0x16e: {  	v19 =	vld [tilespmem:s7+$0x19780]  }
0x16f: {  	v20 =	vld [tilespmem:s7+$0x19800]  }
0x170: {  	v21 =	vld [tilespmem:s7+$0x19880]  }
0x171: {  	v22 =	vld [tilespmem:s7+$0x19900]  }
0x172: {  	v2 =	vld.idx.msk [tilespmem:v2+s4+$0x0], $0xffff  }
0x173: {  	v3 =	vld.idx.msk [tilespmem:v3+s4+$0x0], $0xffff  }
0x174: {  	v6 =	vld.idx.msk [tilespmem:v5+s4+$0x0], $0xffff  }
0x175: {  	v5 =	vld.idx.msk [tilespmem:v7+s4+$0x0], $0xffff  }
0x176: {  	v7 =	vld.idx.msk [tilespmem:v8+s4+$0x0], $0xffff  }
0x177: {  	v8 =	vld.idx.msk [tilespmem:v9+s4+$0x0], $0xffff  }
0x178: {  	v9 =	vld.idx.msk [tilespmem:v10+s4+$0x0], $0xffff  }
0x179: {  	v10 =	vld [tilespmem:s7+$0x18F00]  }
0x17a: {  	v14 =	vld.idx.msk [tilespmem:v13+s4+$0x0], $0xffff  }
0x17b: {  	v13 =	vld.idx.msk [tilespmem:v15+s4+$0x0], $0xffff  }
0x17c: {  	v15 =	vld.idx.msk [tilespmem:v16+s4+$0x0], $0xffff  }
0x17d: {  	v16 =	vld.idx.msk [tilespmem:v17+s4+$0x0], $0xffff  }
0x17e: {  	v17 =	vld.idx.msk [tilespmem:v18+s4+$0x0], $0xffff  }
0x17f: {  	v18 =	vld [tilespmem:s7+$0x19700]  }
0x180: {  	v4 =	vld.idx.msk [tilespmem:v4+s4+$0x0], $0xffff  }
0x181: {  	v11 =	vld.idx.msk [tilespmem:v11+s4+$0x0], $0xffff  }
0x182: {  	v12 =	vld.idx.msk [tilespmem:v12+s4+$0x0], $0xffff  }
0x183: {  	s6 =	simm.s32 $0x0;
	s5 =	simm.s32 $0x80;
	v10 =	vld.idx.msk [tilespmem:v10+s4+$0x0], $0xffff  }
.LBB2_13:
0x184: {  	p1 =	sne.s32 s5, $0x780;
	v23 =	vld [tilespmem:s7+$0x19980]  }
0x185: {  	v24 =	vld [tilespmem:s7+$0x19A00]  }
0x186: {  	v25 =	vld [tilespmem:s7+$0x19A80]  }
0x187: {  	v18 =	vld.idx.msk [tilespmem:v18+s4+$0x0], $0xffff  }
0x188: {  	v19 =	vld.idx.msk [tilespmem:v19+s4+$0x0], $0xffff  }
0x189: {  	v20 =	vld.idx.msk [tilespmem:v20+s4+$0x0], $0xffff  }
0x18a: {  	v21 =	vld.idx.msk [tilespmem:v21+s4+$0x0], $0xffff  }
0x18b: {  	v22 =	vld.idx.msk [tilespmem:v22+s4+$0x0], $0xffff  }
0x18c: {  	v23 =	vld.idx.msk [tilespmem:v23+s4+$0x0], $0xffff  }
0x18d: {  	v2 =	vadd.f32 v3, v2;
	v3 =	vadd.f32 v6, v4;
	v24 =	vld.idx.msk [tilespmem:v24+s4+$0x0], $0xffff  }
0x18e: {  	v5 =	vadd.f32 v7, v5;
	v6 =	vadd.f32 v9, v8;
	v4 =	vld.idx.msk [tilespmem:v25+s4+$0x0], $0xffff;
	_ =	sdelay $0x1  }
0x18f: {  	v2 =	vadd.f32 v3, v2;
	v3 =	vadd.f32 v6, v5;
	v1 =	vld.idx.msk [tilespmem:v1+s4+$0x0], $0xffff  }
0x190: {  	v5 =	vadd.f32 v11, v10;
	v6 =	vadd.f32 v14, v12;
	v0 =	vld.idx.msk [tilespmem:v0+s4+$0x0], $0xffff  }
0x191: {  	v7 =	vadd.f32 v15, v13;
	v8 =	vadd.f32 v17, v16  }
0x192: {  	v9 =	vadd.f32 v19, v18;
	v10 =	vadd.f32 v21, v20  }
0x193: {  	v11 =	vadd.f32 v23, v22;
	v4 =	vadd.f32 v4, v24  }
0x194: {  	v5 =	vadd.f32 v6, v5;
	v6 =	vadd.f32 v8, v7  }
0x195: {  	v7 =	vadd.f32 v10, v9;
	v4 =	vadd.f32 v4, v11  }
0x196: {  	v0 =	vadd.f32 v0, v1;
	v1 =	vadd.f32 v3, v2  }
0x197: {  	v2 =	vadd.f32 v6, v5;
	v3 =	vadd.f32 v4, v7;
	_ =	sdelay $0x1  }
0x198: {  	v1 =	vadd.f32 v2, v1;
	v0 =	vadd.f32 v0, v3;
	_ =	sdelay $0x1  }
0x199: {  	s6 =	sadd.s32 $0x10, s6;
	s7 =	sshrl.u32 s13, $0x2;
	v0 =	vadd.f32 v0, v1  }
0x19a: {  	s13 =	sand.u32 $0x400, s5;
	s9 =	sor.u32 s12, s7;
	s12 =	sand.u32 $0x70, s6  }
0x19b: {  	s7 =	sor.u32 s12, s13;
	[tilespmem:s9+$0x1C700] =	vst v0  }
0x19c: {  	v1 =	vld [tilespmem:s7+$0x19F00]  }
0x19d: {  	v0 =	vld [tilespmem:s7+$0x19F80]  }
0x19e: {  	s9 =	sadd.s32 $0x18700, s7;
	v2 =	vld [tilespmem:s7+$0x18700]  }
0x19f: {  	v3 =	vld [tilespmem:s9+$0x80]  }
0x1a0: {  	v4 =	vld [tilespmem:s9+$0x100]  }
0x1a1: {  	v5 =	vld [tilespmem:s9+$0x180]  }
0x1a2: {  	v7 =	vld [tilespmem:s9+$0x200]  }
0x1a3: {  	v8 =	vld [tilespmem:s9+$0x280]  }
0x1a4: {  	v9 =	vld [tilespmem:s9+$0x300]  }
0x1a5: {  	v10 =	vld [tilespmem:s9+$0x380]  }
0x1a6: {  	v2 =	vld.idx.msk [tilespmem:v2+s4+$0x0], $0xffff  }
0x1a7: {  	v3 =	vld.idx.msk [tilespmem:v3+s4+$0x0], $0xffff  }
0x1a8: {  	v4 =	vld.idx.msk [tilespmem:v4+s4+$0x0], $0xffff  }
0x1a9: {  	v6 =	vld.idx.msk [tilespmem:v5+s4+$0x0], $0xffff  }
0x1aa: {  	v5 =	vld.idx.msk [tilespmem:v7+s4+$0x0], $0xffff  }
0x1ab: {  	v7 =	vld.idx.msk [tilespmem:v8+s4+$0x0], $0xffff  }
0x1ac: {  	v8 =	vld.idx.msk [tilespmem:v9+s4+$0x0], $0xffff  }
0x1ad: {  	v9 =	vld.idx.msk [tilespmem:v10+s4+$0x0], $0xffff  }
0x1ae: {  	v10 =	vld [tilespmem:s7+$0x18F00]  }
0x1af: {  	v11 =	vld [tilespmem:s7+$0x18F80]  }
0x1b0: {  	v12 =	vld [tilespmem:s7+$0x19000]  }
0x1b1: {  	v13 =	vld [tilespmem:s7+$0x19080]  }
0x1b2: {  	v15 =	vld [tilespmem:s7+$0x19100]  }
0x1b3: {  	v16 =	vld [tilespmem:s7+$0x19180]  }
0x1b4: {  	v17 =	vld [tilespmem:s7+$0x19200]  }
0x1b5: {  	v18 =	vld [tilespmem:s7+$0x19280]  }
0x1b6: {  	v10 =	vld.idx.msk [tilespmem:v10+s4+$0x0], $0xffff  }
0x1b7: {  	v11 =	vld.idx.msk [tilespmem:v11+s4+$0x0], $0xffff  }
0x1b8: {  	v12 =	vld.idx.msk [tilespmem:v12+s4+$0x0], $0xffff  }
0x1b9: {  	v14 =	vld.idx.msk [tilespmem:v13+s4+$0x0], $0xffff  }
0x1ba: {  	v13 =	vld.idx.msk [tilespmem:v15+s4+$0x0], $0xffff  }
0x1bb: {  	v15 =	vld.idx.msk [tilespmem:v16+s4+$0x0], $0xffff  }
0x1bc: {  	v16 =	vld.idx.msk [tilespmem:v17+s4+$0x0], $0xffff  }
0x1bd: {  	v17 =	vld.idx.msk [tilespmem:v18+s4+$0x0], $0xffff  }
.Ltmp6:
0x1be: {  	v18 =	vld [tilespmem:s7+$0x19700];
	(pc) =	sbr.rel @p1 .LBB2_13-.Ltmp6, $4  }
0x1bf: {  	v19 =	vld [tilespmem:s7+$0x19780]  }
0x1c0: {  	v20 =	vld [tilespmem:s7+$0x19800]  }
0x1c1: {  	v21 =	vld [tilespmem:s7+$0x19880]  }
0x1c2: {  	s5 =	sadd.s32 $0x80, s5;
	v22 =	vld [tilespmem:s7+$0x19900]  }
0x1c3: {  	_ = 	snop  }
0x1c4: {  	v23 =	vld [tilespmem:s7+$0x19980]  }
0x1c5: {  	v24 =	vld [tilespmem:s7+$0x19A00]  }
0x1c6: {  	v25 =	vld [tilespmem:s7+$0x19A80]  }
0x1c7: {  	v18 =	vld.idx.msk [tilespmem:v18+s4+$0x0], $0xffff  }
0x1c8: {  	v19 =	vld.idx.msk [tilespmem:v19+s4+$0x0], $0xffff  }
0x1c9: {  	v20 =	vld.idx.msk [tilespmem:v20+s4+$0x0], $0xffff  }
0x1ca: {  	v21 =	vld.idx.msk [tilespmem:v21+s4+$0x0], $0xffff  }
0x1cb: {  	v22 =	vld.idx.msk [tilespmem:v22+s4+$0x0], $0xffff  }
0x1cc: {  	v23 =	vld.idx.msk [tilespmem:v23+s4+$0x0], $0xffff  }
0x1cd: {  	v2 =	vadd.f32 v3, v2;
	v47 =	vadd.f32 v6, v4;
	v48 =	vld.idx.msk [tilespmem:v24+s4+$0x0], $0xffff  }
0x1ce: {  	v5 =	vadd.f32 v7, v5;
	v49 =	vadd.f32 v9, v8;
	v50 =	vld.idx.msk [tilespmem:v25+s4+$0x0], $0xffff  }
0x1cf: {  	v52 =	vadd.f32 v11, v10;
	v53 =	vadd.f32 v14, v12  }
0x1d0: {  	v54 =	vadd.f32 v15, v13;
	v55 =	vadd.f32 v17, v16  }
0x1d1: {  	v1 =	vld.idx.msk [tilespmem:v1+s4+$0x0], $0xffff;
	v2 =	vadd.f32 v47, v2;
	v51 =	vadd.f32 v49, v5  }
0x1d2: {  	v0 =	vld.idx.msk [tilespmem:v0+s4+$0x0], $0xffff;
	v56 =	vadd.f32 v19, v18;
	v57 =	vadd.f32 v21, v20  }
0x1d3: {  	v58 =	vadd.f32 v23, v22;
	v4 =	vadd.f32 v50, v48  }
0x1d4: {  	v5 =	vadd.f32 v53, v52;
	v59 =	vadd.f32 v55, v54  }
0x1d5: {  	v60 =	vadd.f32 v57, v56;
	v4 =	vadd.f32 v4, v58  }
0x1d6: {  	v61 =	vadd.f32 v51, v2;
	v62 =	vadd.f32 v59, v5  }
0x1d7: {  	v0 =	vadd.f32 v0, v1;
	v63 =	vadd.f32 v4, v60;
	_ =	sdelay $0x1  }
0x1d8: {  	v1 =	vadd.f32 v62, v61;
	v0 =	vadd.f32 v0, v63  }
0x1d9: {  	s5 =	sshll.u32 s15, $0xC  }
0x1da: {  	s6 =	sshrl.u32 s13, $0x2;
	p1 =	sne.s32 s15, $0x7;
	s9 =	sadd.s32 s10, s5;
	v0 =	vadd.f32 v0, v1  }
.Ltmp7:
0x1db: {  	s6 =	sor.u32 s12, s6;
	s7 =	sshrl.u32 s9, $0x3;
	(pc) =	sbr.rel @p1 .LBB2_16-.Ltmp7, $4  }
0x1dc: {  	s13 =	sadd.s32 s2, s7;
	[tilespmem:s6+$0x1C700] =	vst v0  }
0x1dd: {  	[hbm4b:s13+s4] =	stream.linear.scatter [tilespmem:s24], [sflag:$0x5], $0x80, $0x38;
	[tilespmem:$0x1E900] =	vst v63  }
0x1de: {  	s6 =	sadd.s32 $0x80, s13  }
0x1df: {  	[hbm4b:s6+s4] =	stream.linear.scatter [tilespmem:s25], [sflag:$0x5], $0x80, $0x38;
	[tilespmem:$0x1E900] =	vst v63  }
.Ltmp8:
0x1e0: {  	(pc) =	sbr.rel .LBB2_17-.Ltmp8, $4  }
0x1e1: {  	_ = 	snop  }
0x1e2: {  	_ =	swait.ge [sflag:s26], $0x2000  }
0x1e3: {  	[sflag:s26] =	ssyncset.done $0x0  }
0x1e4: {  	[sflag:s26] =	ssyncadd.s32 $0xFFFFE000  }
.LBB2_16:
0x1e5: {  	s5 =	sand.u32 $0x3FFFF000, s5  }
0x1e6: {  	s5 =	sadd.s32 s5, s3  }
.Ltmp9:
0x1e7: {  	s5 =	sadd.s32 $0x1000, s5;
	(pc) =	sbr.rel @p0 .LBB2_18-.Ltmp9, $4  }
0x1e8: {  	[tilespmem:s21], [sflag:$0x1] =	stream.strided.gather [spmem:s5], $0x2000, s20, s19, $0x38;
	[tilespmem:$0x1E900] =	vst v63  }
0x1e9: {  	_ =	swait.ge [sflag:s26], $0x2000  }
0x1ea: {  	[sflag:s26] =	ssyncset.done $0x0  }
0x1eb: {  	[sflag:s26] =	ssyncadd.s32 $0xFFFFE000  }
.LBB2_17:
0x1ec: {  	_ =	swait.ge [sflag:s28], $0x100  }
0x1ed: {  	[sflag:s28] =	ssyncset.done $0x0  }
0x1ee: {  	[sflag:s28] =	ssyncadd.s32 $0xFFFFFF00  }
.LBB2_18:
0x1ef: {  	s5 =	simm.s32 $0x0  }
0x1f0: {  	s12 =	sand.u32 $0x70, s5;
	s13 =	sand.u32 $0x400, s5  }
0x1f1: {  	s7 =	sor.u32 s12, s13  }
0x1f2: {  	v1 =	vld [tilespmem:s7+$0x1BF00]  }
0x1f3: {  	v0 =	vld [tilespmem:s7+$0x1BF80]  }
0x1f4: {  	v2 =	vld [tilespmem:s7+$0x1A700]  }
0x1f5: {  	v3 =	vld [tilespmem:s7+$0x1A780]  }
0x1f6: {  	v4 =	vld [tilespmem:s7+$0x1A800]  }
0x1f7: {  	v5 =	vld [tilespmem:s7+$0x1A880]  }
0x1f8: {  	v7 =	vld [tilespmem:s7+$0x1A900]  }
0x1f9: {  	v8 =	vld [tilespmem:s7+$0x1A980]  }
0x1fa: {  	v9 =	vld [tilespmem:s7+$0x1AA00]  }
0x1fb: {  	v10 =	vld [tilespmem:s7+$0x1AA80]  }
0x1fc: {  	v11 =	vld [tilespmem:s7+$0x1AF80]  }
0x1fd: {  	v12 =	vld [tilespmem:s7+$0x1B000]  }
0x1fe: {  	v13 =	vld [tilespmem:s7+$0x1B080]  }
0x1ff: {  	v15 =	vld [tilespmem:s7+$0x1B100]  }
0x200: {  	v16 =	vld [tilespmem:s7+$0x1B180]  }
0x201: {  	v17 =	vld [tilespmem:s7+$0x1B200]  }
0x202: {  	v18 =	vld [tilespmem:s7+$0x1B280]  }
0x203: {  	v19 =	vld [tilespmem:s7+$0x1B780]  }
0x204: {  	v20 =	vld [tilespmem:s7+$0x1B800]  }
0x205: {  	v21 =	vld [tilespmem:s7+$0x1B880]  }
0x206: {  	v22 =	vld [tilespmem:s7+$0x1B900]  }
0x207: {  	v23 =	vld [tilespmem:s7+$0x1B980]  }
0x208: {  	v2 =	vld.idx.msk [tilespmem:v2+s4+$0x0], $0xffff  }
0x209: {  	v6 =	vld.idx.msk [tilespmem:v5+s4+$0x0], $0xffff  }
0x20a: {  	v5 =	vld.idx.msk [tilespmem:v7+s4+$0x0], $0xffff  }
0x20b: {  	v7 =	vld.idx.msk [tilespmem:v8+s4+$0x0], $0xffff  }
0x20c: {  	v8 =	vld.idx.msk [tilespmem:v9+s4+$0x0], $0xffff  }
0x20d: {  	v9 =	vld.idx.msk [tilespmem:v10+s4+$0x0], $0xffff  }
0x20e: {  	v10 =	vld [tilespmem:s7+$0x1AF00]  }
0x20f: {  	v14 =	vld.idx.msk [tilespmem:v13+s4+$0x0], $0xffff  }
0x210: {  	v13 =	vld.idx.msk [tilespmem:v15+s4+$0x0], $0xffff  }
0x211: {  	v15 =	vld.idx.msk [tilespmem:v16+s4+$0x0], $0xffff  }
0x212: {  	v16 =	vld.idx.msk [tilespmem:v17+s4+$0x0], $0xffff  }
0x213: {  	v17 =	vld.idx.msk [tilespmem:v18+s4+$0x0], $0xffff  }
0x214: {  	v18 =	vld [tilespmem:s7+$0x1B700]  }
0x215: {  	v3 =	vld.idx.msk [tilespmem:v3+s4+$0x0], $0xffff  }
0x216: {  	v4 =	vld.idx.msk [tilespmem:v4+s4+$0x0], $0xffff  }
0x217: {  	v11 =	vld.idx.msk [tilespmem:v11+s4+$0x0], $0xffff  }
0x218: {  	v12 =	vld.idx.msk [tilespmem:v12+s4+$0x0], $0xffff  }
0x219: {  	s6 =	simm.s32 $0x80;
	v10 =	vld.idx.msk [tilespmem:v10+s4+$0x0], $0xffff  }
.LBB2_19:
0x21a: {  	p0 =	sne.s32 s6, $0x780;
	v24 =	vld [tilespmem:s7+$0x1BA00]  }
0x21b: {  	v25 =	vld [tilespmem:s7+$0x1BA80]  }
0x21c: {  	v18 =	vld.idx.msk [tilespmem:v18+s4+$0x0], $0xffff  }
0x21d: {  	v19 =	vld.idx.msk [tilespmem:v19+s4+$0x0], $0xffff  }
0x21e: {  	v20 =	vld.idx.msk [tilespmem:v20+s4+$0x0], $0xffff  }
0x21f: {  	v21 =	vld.idx.msk [tilespmem:v21+s4+$0x0], $0xffff  }
0x220: {  	v22 =	vld.idx.msk [tilespmem:v22+s4+$0x0], $0xffff  }
0x221: {  	v23 =	vld.idx.msk [tilespmem:v23+s4+$0x0], $0xffff  }
0x222: {  	v2 =	vadd.f32 v3, v2;
	v3 =	vadd.f32 v6, v4;
	v24 =	vld.idx.msk [tilespmem:v24+s4+$0x0], $0xffff  }
0x223: {  	v5 =	vadd.f32 v7, v5;
	v6 =	vadd.f32 v9, v8;
	v4 =	vld.idx.msk [tilespmem:v25+s4+$0x0], $0xffff;
	_ =	sdelay $0x1  }
0x224: {  	v2 =	vadd.f32 v3, v2;
	v3 =	vadd.f32 v6, v5;
	v1 =	vld.idx.msk [tilespmem:v1+s4+$0x0], $0xffff  }
0x225: {  	v5 =	vadd.f32 v11, v10;
	v6 =	vadd.f32 v14, v12;
	v0 =	vld.idx.msk [tilespmem:v0+s4+$0x0], $0xffff  }
0x226: {  	v7 =	vadd.f32 v15, v13;
	v8 =	vadd.f32 v17, v16  }
0x227: {  	v9 =	vadd.f32 v19, v18;
	v10 =	vadd.f32 v21, v20  }
0x228: {  	v11 =	vadd.f32 v23, v22;
	v4 =	vadd.f32 v4, v24  }
0x229: {  	v5 =	vadd.f32 v6, v5;
	v6 =	vadd.f32 v8, v7  }
0x22a: {  	v7 =	vadd.f32 v10, v9;
	v4 =	vadd.f32 v4, v11  }
0x22b: {  	v0 =	vadd.f32 v0, v1;
	v1 =	vadd.f32 v3, v2  }
0x22c: {  	v2 =	vadd.f32 v6, v5;
	v3 =	vadd.f32 v4, v7;
	_ =	sdelay $0x1  }
0x22d: {  	v1 =	vadd.f32 v2, v1;
	v0 =	vadd.f32 v0, v3;
	_ =	sdelay $0x1  }
0x22e: {  	s5 =	sadd.s32 $0x10, s5;
	s7 =	sshrl.u32 s13, $0x2;
	v0 =	vadd.f32 v0, v1  }
0x22f: {  	s13 =	sand.u32 $0x400, s6;
	s9 =	sor.u32 s12, s7;
	s12 =	sand.u32 $0x70, s5  }
0x230: {  	s7 =	sor.u32 s12, s13;
	[tilespmem:s9+$0x1C780] =	vst v0  }
0x231: {  	v1 =	vld [tilespmem:s7+$0x1BF00]  }
0x232: {  	v0 =	vld [tilespmem:s7+$0x1BF80]  }
0x233: {  	v2 =	vld [tilespmem:s7+$0x1A700]  }
0x234: {  	v3 =	vld [tilespmem:s7+$0x1A780]  }
0x235: {  	v4 =	vld [tilespmem:s7+$0x1A800]  }
0x236: {  	v5 =	vld [tilespmem:s7+$0x1A880]  }
0x237: {  	v7 =	vld [tilespmem:s7+$0x1A900]  }
0x238: {  	v8 =	vld [tilespmem:s7+$0x1A980]  }
0x239: {  	v9 =	vld [tilespmem:s7+$0x1AA00]  }
0x23a: {  	v10 =	vld [tilespmem:s7+$0x1AA80]  }
0x23b: {  	v2 =	vld.idx.msk [tilespmem:v2+s4+$0x0], $0xffff  }
0x23c: {  	v3 =	vld.idx.msk [tilespmem:v3+s4+$0x0], $0xffff  }
0x23d: {  	v4 =	vld.idx.msk [tilespmem:v4+s4+$0x0], $0xffff  }
0x23e: {  	v6 =	vld.idx.msk [tilespmem:v5+s4+$0x0], $0xffff  }
0x23f: {  	v5 =	vld.idx.msk [tilespmem:v7+s4+$0x0], $0xffff  }
0x240: {  	v7 =	vld.idx.msk [tilespmem:v8+s4+$0x0], $0xffff  }
0x241: {  	v8 =	vld.idx.msk [tilespmem:v9+s4+$0x0], $0xffff  }
0x242: {  	v9 =	vld.idx.msk [tilespmem:v10+s4+$0x0], $0xffff  }
0x243: {  	v10 =	vld [tilespmem:s7+$0x1AF00]  }
0x244: {  	v11 =	vld [tilespmem:s7+$0x1AF80]  }
0x245: {  	v12 =	vld [tilespmem:s7+$0x1B000]  }
0x246: {  	v13 =	vld [tilespmem:s7+$0x1B080]  }
0x247: {  	v15 =	vld [tilespmem:s7+$0x1B100]  }
0x248: {  	v16 =	vld [tilespmem:s7+$0x1B180]  }
0x249: {  	v17 =	vld [tilespmem:s7+$0x1B200]  }
0x24a: {  	v18 =	vld [tilespmem:s7+$0x1B280]  }
0x24b: {  	v10 =	vld.idx.msk [tilespmem:v10+s4+$0x0], $0xffff  }
0x24c: {  	v11 =	vld.idx.msk [tilespmem:v11+s4+$0x0], $0xffff  }
0x24d: {  	v12 =	vld.idx.msk [tilespmem:v12+s4+$0x0], $0xffff  }
0x24e: {  	v14 =	vld.idx.msk [tilespmem:v13+s4+$0x0], $0xffff  }
0x24f: {  	v13 =	vld.idx.msk [tilespmem:v15+s4+$0x0], $0xffff  }
0x250: {  	v15 =	vld.idx.msk [tilespmem:v16+s4+$0x0], $0xffff  }
0x251: {  	v16 =	vld.idx.msk [tilespmem:v17+s4+$0x0], $0xffff  }
0x252: {  	v17 =	vld.idx.msk [tilespmem:v18+s4+$0x0], $0xffff  }
0x253: {  	v18 =	vld [tilespmem:s7+$0x1B700]  }
.Ltmp10:
0x254: {  	v19 =	vld [tilespmem:s7+$0x1B780];
	(pc) =	sbr.rel @p0 .LBB2_19-.Ltmp10, $4  }
0x255: {  	v20 =	vld [tilespmem:s7+$0x1B800]  }
0x256: {  	v21 =	vld [tilespmem:s7+$0x1B880]  }
0x257: {  	v22 =	vld [tilespmem:s7+$0x1B900]  }
0x258: {  	s6 =	sadd.s32 $0x80, s6;
	v23 =	vld [tilespmem:s7+$0x1B980]  }
0x259: {  	_ =	sdelay $0x1  }
0x25a: {  	v24 =	vld [tilespmem:s7+$0x1BA00]  }
0x25b: {  	v25 =	vld [tilespmem:s7+$0x1BA80]  }
0x25c: {  	v18 =	vld.idx.msk [tilespmem:v18+s4+$0x0], $0xffff  }
0x25d: {  	v19 =	vld.idx.msk [tilespmem:v19+s4+$0x0], $0xffff  }
0x25e: {  	v20 =	vld.idx.msk [tilespmem:v20+s4+$0x0], $0xffff  }
0x25f: {  	v21 =	vld.idx.msk [tilespmem:v21+s4+$0x0], $0xffff  }
0x260: {  	v22 =	vld.idx.msk [tilespmem:v22+s4+$0x0], $0xffff  }
0x261: {  	v23 =	vld.idx.msk [tilespmem:v23+s4+$0x0], $0xffff  }
0x262: {  	v2 =	vadd.f32 v3, v2;
	v47 =	vadd.f32 v6, v4;
	v48 =	vld.idx.msk [tilespmem:v24+s4+$0x0], $0xffff  }
0x263: {  	v5 =	vadd.f32 v7, v5;
	v49 =	vadd.f32 v9, v8;
	v50 =	vld.idx.msk [tilespmem:v25+s4+$0x0], $0xffff  }
0x264: {  	v52 =	vadd.f32 v11, v10;
	v53 =	vadd.f32 v14, v12  }
0x265: {  	v54 =	vadd.f32 v15, v13;
	v55 =	vadd.f32 v17, v16  }
0x266: {  	v1 =	vld.idx.msk [tilespmem:v1+s4+$0x0], $0xffff;
	v2 =	vadd.f32 v47, v2;
	v51 =	vadd.f32 v49, v5  }
0x267: {  	v0 =	vld.idx.msk [tilespmem:v0+s4+$0x0], $0xffff;
	v56 =	vadd.f32 v19, v18;
	v57 =	vadd.f32 v21, v20  }
0x268: {  	v58 =	vadd.f32 v23, v22;
	v4 =	vadd.f32 v50, v48  }
0x269: {  	v5 =	vadd.f32 v53, v52;
	v59 =	vadd.f32 v55, v54  }
0x26a: {  	v60 =	vadd.f32 v57, v56;
	v4 =	vadd.f32 v4, v58  }
0x26b: {  	v61 =	vadd.f32 v51, v2;
	v62 =	vadd.f32 v59, v5  }
0x26c: {  	v0 =	vadd.f32 v0, v1;
	v63 =	vadd.f32 v4, v60;
	_ =	sdelay $0x1  }
0x26d: {  	v1 =	vadd.f32 v62, v61;
	v0 =	vadd.f32 v0, v63  }
0x26e: {  	s15 =	sadd.s32 $0x1, s15  }
0x26f: {  	s5 =	sshrl.u32 s13, $0x2;
	s6 =	sadd.s32 s10, s16;
	p0 =	sne.s32 s15, $0x8;
	v0 =	vadd.f32 v0, v1  }
.Ltmp11:
0x270: {  	s5 =	sor.u32 s12, s5;
	s6 =	sshrl.u32 s6, $0x3;
	(pc) =	sbr.rel @p0 .LBB2_12-.Ltmp11, $4  }
0x271: {  	s16 =	sadd.s32 s2, s6;
	[tilespmem:s5+$0x1C780] =	vst v0  }
0x272: {  	[hbm4b:s16+s4] =	stream.linear.scatter [tilespmem:s29], [sflag:$0x5], $0x80, $0x38;
	[tilespmem:$0x1E900] =	vst v63  }
0x273: {  	s5 =	sadd.s32 $0x80, s16  }
0x274: {  	[hbm4b:s5+s4] =	stream.linear.scatter [tilespmem:s30], [sflag:$0x5], $0x80, $0x38;
	[tilespmem:$0x1E900] =	vst v63  }
0x275: {  	s0 =	sadd.s32 $0x1, s0  }
0x276: {  	_ =	swait.ge [sflag:s28], $0x100;
	p0 =	sne.s32 s0, s11  }
.Ltmp12:
0x277: {  	[sflag:s28] =	ssyncset.done $0x0;
	(pc) =	sbr.rel @p0 .LBB2_1-.Ltmp12, $4  }
0x278: {  	[sflag:s28] =	ssyncadd.s32 $0xFFFFFF00  }
0x279: {  	_ =	swait.ge [sflag:s28], $0x100  }
0x27a: {  	[sflag:s28] =	ssyncset.done $0x0  }
0x27b: {  	s9 =	simm.s32 $0x80;
	[sflag:s28] =	ssyncadd.s32 $0xFFFFFF00  }
0x27c: {  	_ =	sfence.sel $0x180000  }
0x27d: {  	[bflag:$0x0] =	sbarrier.arrive $0xFFFF  }
0x27e: {  	_ =	strace $0x90000047  }
0x27f: {  	s0 =	stileid.u32;
	[bflag:$0x2] =	sbarrier.arrive $0xFFFF  }
0x280: {  	p0 =	sne.s32 s0, $0x0;
	s0 =	rddreg [dreg:$0x4]  }
0x281: {  	s0 =	sadd.s32 @!p0 $0x100000, s0  }
0x282: {  	[sflag:s0] =	ssyncadd.tile.s32 @!p0 $0x1;
	_ =	shalt  }
.Lfunc_end2:
_tile_overlayer_lowered:
.L_overlay_start_2:
0x283: {  	(tag) =	ssettag $0x2  }
0x284: {  	s0 =	rddreg [dreg:$0x0];
	s2 =	stileid.u32  }
0x285: {  	s1 =	rddreg [dreg:$0x1];
	p0 =	sne.s32 s2, $0x0  }
0x286: {  	s3 =	rddreg [dreg:$0x2];
	[bflag:$0x3] =	sbarrier.arrive $0xFFFF;
	s2 =	simm.s32 @!p0 $0x1C06  }
0x287: {  	[timem:s3], [sflag:s2] =	dma.local @!p0 [hbm:s0], s1  }
0x288: {  	s0 =	simm.s32 @!p0 $0x6  }
0x289: {  	_ =	swait.ge @!p0 [sflag:s0], s1  }
0x28a: {  	s1 =	ssub.s32 @!p0 $0x0, s1;
	[sflag:s0] =	ssyncset.done @!p0 $0x0  }
0x28b: {  	[sflag:s0] =	ssyncadd.s32 @!p0 s1  }
0x28c: {  	[bflag:$0x3] =	sbarrier.arrive $0xFFFF  }
0x28d: {  	_ =	shalt  }

</sc_bundles>
